<compile_context>
chip_gen: v7x
topology: tpu7x:2x2x1
jax: 0.10.2.dev20260603
libtpu: 0.0.44.dev20260713+nightly
codegen_flags: <defaults>
</compile_context>

<pallas_src>
import functools

import jax
import jax.numpy as jnp
from jax import lax
from jax.experimental import pallas as pl
from jax.experimental.pallas import tpu as pltpu
from jax.experimental.pallas import tpu_sc as plsc

N = 25000
E = 312500
NC, NS = 2, 16
NW = NC * NS
CH = 128
CPW = 80
EPW = CPW * CH
E_PAD = NW * EPW
NA_PAD = 25088
RPS = NA_PAD // NS
NBUF = 4


def _make_segsum(D):
    mesh = plsc.VectorSubcoreMesh(core_axis_name="c", subcore_axis_name="s")

    @functools.partial(
        pl.kernel,
        mesh=mesh,
        compiler_params=pltpu.CompilerParams(use_tc_tiling_on_sc=False),
        out_type=jax.ShapeDtypeStruct((NC, NA_PAD, D), jnp.float32),
        scratch_types=(
            [pltpu.VMEM((CPW, CH), jnp.int32),
             pltpu.VMEM((CPW, CH), jnp.int32)]
            + [pltpu.VMEM((CH, D), jnp.float32) for _ in range(2)]
            + [pltpu.VMEM_SHARED((NA_PAD, D), jnp.float32)]
            + [pltpu.SemaphoreType.DMA for _ in range(2)]
        ),
    )
    def seg(values_h, src_h, dst_h, zeros_h, out_h, src_v, dst_v, *rest):
        rows = rest[:2]
        acc_s = rest[2]
        gsem = rest[3:5]
        cid = lax.axis_index("c")
        sid = lax.axis_index("s")
        wid = sid * NC + cid
        base = wid * EPW

        pltpu.sync_copy(src_h.at[pl.ds(wid * CPW, CPW)], src_v)
        pltpu.sync_copy(dst_h.at[pl.ds(wid * CPW, CPW)], dst_v)
        pltpu.sync_copy(zeros_h.at[pl.ds(sid * RPS, RPS)],
                        acc_s.at[pl.ds(sid * RPS, RPS)])
        plsc.subcore_barrier()

        def gather(jj, b):
            pltpu.async_copy(values_h.at[src_v.at[jj]], rows[b], gsem[b])

        def gather_wait(jj, b):
            pltpu.make_async_copy(values_h.at[src_v.at[jj]],
                                  rows[b], gsem[b]).wait()

        def scatter(jj, b):
            pltpu.sync_copy(rows[b], acc_s.at[dst_v.at[jj]], add=True)

        gather(0, 0)

        def body(i, carry):
            j0 = i * 2
            gather(j0 + 1, 1)
            gather_wait(j0, 0)
            scatter(j0, 0)

            @pl.when(j0 + 2 < CPW)
            def _():
                gather(j0 + 2, 0)

            gather_wait(j0 + 1, 1)
            scatter(j0 + 1, 1)
            return carry

        lax.fori_loop(0, CPW // 2, body, 0, unroll=False)
        plsc.subcore_barrier()

        pltpu.sync_copy(acc_s.at[pl.ds(sid * RPS, RPS)],
                        out_h.at[cid, pl.ds(sid * RPS, RPS)])

    return seg


_SEG = {}


def _segsum(D, *args):
    if D not in _SEG:
        _SEG[D] = _make_segsum(D)
    return _SEG[D](*args)


_HI = jax.lax.Precision.HIGHEST


def _stage_b(s2p, xip, A, B, bias):
    def body(s_r, x_r, a_r, b_r, c_r, o_r):
        s = s_r[0] + s_r[1]
        o_r[...] = (jnp.dot(s, a_r[...], precision=_HI)
                    + jnp.dot(x_r[...], b_r[...], precision=_HI)
                    + c_r[...])

    full = lambda shape: pl.BlockSpec(shape, lambda: tuple(0 for _ in shape))
    return pl.pallas_call(
        body,
        in_specs=[full((2, 1568, 128)), full((1568, 64)),
                  full((128, 256)), full((64, 256)), full((1, 256))],
        out_specs=full((1568, 256)),
        out_shape=jax.ShapeDtypeStruct((1568, 256), jnp.float32),
    )(s2p, xip, A, B, bias)


def _stage_d(ttp, xup, A, B, bias):
    def body(t_r, x_r, a_r, b_r, c_r, o_r):
        o = t_r[0] + t_r[1]
        o_r[...] = (jnp.dot(o, a_r[...], precision=_HI)
                    + jnp.dot(x_r[...], b_r[...], precision=_HI)
                    + c_r[...])

    full = lambda shape: pl.BlockSpec(shape, lambda: tuple(0 for _ in shape))
    return pl.pallas_call(
        body,
        in_specs=[full((2, 3136, 128)), full((3136, 32)),
                  full((128, 128)), full((32, 128)), full((1, 128))],
        out_specs=full((3136, 128)),
        out_shape=jax.ShapeDtypeStruct((3136, 128), jnp.float32),
    )(ttp, xup, A, B, bias)


def _prep_edges(ei):
    npad = E_PAD - E
    src = jnp.concatenate([ei[0], jnp.zeros((npad,), jnp.int32)])
    dst = jnp.concatenate(
        [ei[1], N + (jnp.arange(npad, dtype=jnp.int32) % (NA_PAD - N))])
    return src.reshape(-1, CH), dst.reshape(-1, CH)


def _fold(We, be, Wmat):
    W3 = Wmat.reshape(4, 32, -1)
    return (jnp.einsum("ck,ckj->cj", We, W3, precision=_HI),
            jnp.einsum("ck,ckj->j", be, W3, precision=_HI))


def _mm(a, b):
    return jnp.matmul(a, b, precision=_HI)


def _pad16(a):
    a = jnp.atleast_2d(a)
    return jnp.pad(a, ((0, 0), (0, 16 - a.shape[1])))


def _blockdiag(E_node, groups):
    k = E_node.shape[0]
    eye = jnp.eye(groups, dtype=jnp.float32)
    return (eye[:, None, :, None] * E_node[None, :, None, :]).reshape(
        groups * k, groups * 16)


def _pack_cols(x, per_row):
    xp = jnp.pad(x, ((0, NA_PAD - N), (0, 0)))
    return xp.reshape(-1, per_row)


def kernel(x_user, x_item, edge_u2i, edge_i2u,
           emb_W_user, emb_b_user, emb_W_item, emb_b_item,
           Wl1_u, bl1_u, Wr1_u, Wl1_i, bl1_i, Wr1_i,
           Wl2_u, bl2_u, Wr2_u, Wl2_i, bl2_i, Wr2_i,
           Wm, bm):
    C = _mm(Wl2_u, Wm)
    G = _mm(Wr2_u, Wm)
    e = _mm(bl2_u, Wm) + bm
    Ml_i, cl_i = _fold(emb_W_user, emb_b_user, Wl1_i)
    Mr_i, cr_i = _fold(emb_W_item, emb_b_item, Wr1_i)
    P, p, Rm, r0 = _mm(Ml_i, C), _mm(cl_i, C), _mm(Mr_i, C), _mm(bl1_i + cr_i, C)
    Ml_u, cl_u = _fold(emb_W_item, emb_b_item, Wl1_u)
    Mr_u, cr_u = _fold(emb_W_user, emb_b_user, Wr1_u)
    P2, p2, R2, r2 = (_mm(Ml_u, G), _mm(cl_u, G), _mm(Mr_u, G),
                      _mm(bl1_u + cr_u, G) + e)

    E8 = jnp.concatenate([_pad16(P), _pad16(p), jnp.zeros((3, 16))], axis=0)
    RS = _pad16(Rm).at[jnp.arange(4), 10 + jnp.arange(4)].set(1.0)
    cB = _pad16(r0).at[0, 14].set(1.0)
    A_B = _blockdiag(E8, 16)
    B_B = _blockdiag(RS, 16)
    bias_B = jnp.tile(cB, (1, 16))

    E16 = jnp.eye(16, dtype=jnp.float32)
    E16 = E16.at[10:14, :].add(_pad16(P2))
    E16 = E16.at[14:15, :].add(_pad16(p2))
    cD = _pad16(r2)
    A_D = _blockdiag(E16, 8)
    B_D = _blockdiag(_pad16(R2), 8)
    bias_D = jnp.tile(cD, (1, 8))

    v1 = jnp.concatenate(
        [x_user, jnp.ones((N, 1), jnp.float32), jnp.zeros((N, 3), jnp.float32)],
        axis=1)
    srcA, dstA = _prep_edges(edge_u2i)
    z8 = jnp.zeros((NA_PAD, 8), jnp.float32)
    sA = _segsum(8, v1, srcA, dstA, z8)

    qq = _stage_b(sA.reshape(2, 1568, 128), _pack_cols(x_item, 64),
                  A_B, B_B, bias_B).reshape(NA_PAD, 16)

    srcC, dstC = _prep_edges(edge_i2u)
    z16 = jnp.zeros((NA_PAD, 16), jnp.float32)
    tt = _segsum(16, qq, srcC, dstC, z16)

    out16 = _stage_d(tt.reshape(2, 3136, 128), _pack_cols(x_user, 32),
                     A_D, B_D, bias_D).reshape(NA_PAD, 16)
    return out16[:N, :10]

# --- scband reference (transcript-rebuilt; emitter-appended) ---
"""Pipeline reference for scband-model-15676630630728 (READ-ONLY COPY).

The authoritative reference and input builder live on the scoring server;
editing this copy changes nothing except your own understanding.
"""

import jax, jax.numpy as jnp
import numpy as np

N_USER = 25000
N_ITEM = 25000
E = 312500
NCOL = 4
DIM = 32
D0 = NCOL * DIM
D1 = 128
D2 = 64
OUT = 10


def _p(key, shape):
    return jax.random.normal(key, shape, dtype=jnp.float32) * 0.05


def setup_inputs(seed: int = 0) -> dict:
    key = jax.random.key(seed)
    ks = jax.random.split(key, 32)
    inp = {}
    inp["x_user"] = jax.random.normal(ks[0], (N_USER, NCOL), dtype=jnp.float32)
    inp["x_item"] = jax.random.normal(ks[1], (N_ITEM, NCOL), dtype=jnp.float32)
    inp["edge_u2i"] = jnp.stack([jax.random.randint(ks[2], (E,), 0, N_USER),
                                 jax.random.randint(ks[3], (E,), 0, N_ITEM)], axis=0)
    inp["edge_i2u"] = jnp.stack([jax.random.randint(ks[4], (E,), 0, N_ITEM),
                                 jax.random.randint(ks[5], (E,), 0, N_USER)], axis=0)
    # per-column numeric embedders (CatEmbedder not used: all columns numeric)
    inp["emb_W_user"] = _p(ks[6], (NCOL, DIM))
    inp["emb_b_user"] = _p(ks[7], (NCOL, DIM))
    inp["emb_W_item"] = _p(ks[8], (NCOL, DIM))
    inp["emb_b_item"] = _p(ks[9], (NCOL, DIM))
    # HeteroGNN layer 1: SAGEConv (D0 -> D1) per edge type; lin_l has bias, lin_r (root) has no bias
    inp["Wl1_u"] = _p(ks[10], (D0, D1)); inp["bl1_u"] = _p(ks[11], (D1,)); inp["Wr1_u"] = _p(ks[12], (D0, D1))
    inp["Wl1_i"] = _p(ks[13], (D0, D1)); inp["bl1_i"] = _p(ks[14], (D1,)); inp["Wr1_i"] = _p(ks[15], (D0, D1))
    # HeteroGNN layer 2: SAGEConv (D1 -> D2)
    inp["Wl2_u"] = _p(ks[16], (D1, D2)); inp["bl2_u"] = _p(ks[17], (D2,)); inp["Wr2_u"] = _p(ks[18], (D1, D2))
    inp["Wl2_i"] = _p(ks[19], (D1, D2)); inp["bl2_i"] = _p(ks[20], (D2,)); inp["Wr2_i"] = _p(ks[21], (D1, D2))
    # final MLP: Linear(D2 -> OUT)
    inp["Wm"] = _p(ks[22], (D2, OUT)); inp["bm"] = _p(ks[23], (OUT,))
    return inp


def _embed(x, W, b):
    # NumEmbedder per column: scalar -> DIM, then flatten columns: [N, NCOL] -> [N, NCOL*DIM]
    h = x[:, :, None] * W[None, :, :] + b[None, :, :]
    return h.reshape(x.shape[0], -1)


def _sage(x_src, x_dst, ei, Wl, bl, Wr, n_dst):
    # SAGEConv with aggr='sum', no self loops: lin_l(sum-aggregated src msgs) + lin_r(x_dst)
    msg = jnp.take(x_src, ei[0], axis=0)
    agg = jax.ops.segment_sum(msg, ei[1], num_segments=n_dst)
    return agg @ Wl + bl + x_dst @ Wr


def reference(x_user, x_item, edge_u2i, edge_i2u,
              emb_W_user, emb_b_user, emb_W_item, emb_b_item,
              Wl1_u, bl1_u, Wr1_u, Wl1_i, bl1_i, Wr1_i,
              Wl2_u, bl2_u, Wr2_u, Wl2_i, bl2_i, Wr2_i,
              Wm, bm):
    hu = _embed(x_user, emb_W_user, emb_b_user)
    hi = _embed(x_item, emb_W_item, emb_b_item)
    # HeteroGNN layer 1 (HeteroConv: user receives only from item->user, item only from user->item)
    u1 = _sage(hi, hu, edge_i2u, Wl1_u, bl1_u, Wr1_u, N_USER)
    i1 = _sage(hu, hi, edge_u2i, Wl1_i, bl1_i, Wr1_i, N_ITEM)
    # HeteroGNN layer 2
    u2 = _sage(i1, u1, edge_i2u, Wl2_u, bl2_u, Wr2_u, N_USER)
    i2 = _sage(u1, i1, edge_u2i, Wl2_i, bl2_i, Wr2_i, N_ITEM)  # computed by model, unused for target table
    del i2
    # x_dict[target_table='user'] -> MLP
    return u2 @ Wm + bm


if False:  # reference __main__ guard neutralized (emitter)
    out = reference(**setup_inputs())
    print(out.shape)

if __name__ == "__main__":
    import jax
    _d = setup_inputs()
    print(jax.jit(kernel)(*tuple(_d.values())))

</pallas_src>

<mosaic_0001>
#map = affine_map<(d0, d1) -> (0, 0)>
#map1 = affine_map<(d0, d1) -> (0, 0, 0)>
module attributes {stable_mosaic.version = 14 : i64} {
  func.func @seg(%arg0: i32, %arg1: i32, %arg2: memref<25000x8xf32, #tpu.memory_space<hbm>>, %arg3: memref<2560x128xi32, #tpu.memory_space<hbm>>, %arg4: memref<2560x128xi32, #tpu.memory_space<hbm>>, %arg5: memref<25088x8xf32, #tpu.memory_space<hbm>>, %arg6: memref<2x25088x8xf32, #tpu.memory_space<hbm>>, %arg7: memref<80x128xi32, #tpu.memory_space<vmem>>, %arg8: memref<80x128xi32, #tpu.memory_space<vmem>>, %arg9: memref<128x8xf32, #tpu.memory_space<vmem>>, %arg10: memref<128x8xf32, #tpu.memory_space<vmem>>, %arg11: memref<25088x8xf32, #tpu.memory_space<vmem_shared>>, %arg12: memref<!tpu.dma_semaphore, #tpu.memory_space<semaphore_mem>>, %arg13: memref<!tpu.dma_semaphore, #tpu.memory_space<semaphore_mem>>) attributes {dimension_semantics = [#tpu.dimension_semantics<core_parallel>, #tpu.dimension_semantics<subcore_parallel>], iteration_bounds = array<i64: 2, 16>, scalar_prefetch = 0 : i64, scratch_operands = 7 : i64, tpu.core_type = #tpu.core_type<sc_vector_subcore>, window_params = [{transform_indices = #map}, {transform_indices = #map}, {transform_indices = #map}, {transform_indices = #map}, {transform_indices = #map1}]} {
    %mul3A = arith.constant 2 : i32
    %mul3A_0 = arith.muli %arg1, %mul3A : i32
    %add3A = arith.addi %mul3A_0, %arg0 : i32
    %mul3A_1 = arith.constant 10240 : i32
    %mul3A_2 = arith.muli %add3A, %mul3A_1 : i32
    %mul3A_3 = arith.constant 80 : i32
    %mul3A_4 = arith.muli %add3A, %mul3A_3 : i32
    "tpu.region"() ({
      %run_scoped3A = tpu.sem_alloc : memref<!tpu.dma_semaphore, #tpu.memory_space<semaphore_mem>>
      %dma_start3A_27 = arith.constant 0 : i32
      %dma_start3A_28 = tpu.memref_slice %arg3[%mul3A_4, %dma_start3A_27] : memref<2560x128xi32, #tpu.memory_space<hbm>> -> memref<80x128xi32, #tpu.memory_space<hbm>>
      %dma_start3A_29 = arith.constant 0 : i32
      %dma_start3A_30 = tpu.memref_slice %arg3[%mul3A_4, %dma_start3A_29] : memref<2560x128xi32, #tpu.memory_space<hbm>> -> memref<80x128xi32, #tpu.memory_space<hbm>>
      tpu.enqueue_dma source(%dma_start3A_30 : memref<80x128xi32, #tpu.memory_space<hbm>>) target(%arg7 : memref<80x128xi32, #tpu.memory_space<vmem>>) target_semaphore(%run_scoped3A : memref<!tpu.dma_semaphore, #tpu.memory_space<semaphore_mem>>)
      %dma_wait3A = arith.constant 0 : i32
      %dma_wait3A_31 = tpu.memref_slice %arg3[%mul3A_4, %dma_wait3A] : memref<2560x128xi32, #tpu.memory_space<hbm>> -> memref<80x128xi32, #tpu.memory_space<hbm>>
      %dma_wait3A_32 = arith.constant 0 : i32
      %dma_wait3A_33 = tpu.memref_slice %arg3[%mul3A_4, %dma_wait3A_32] : memref<2560x128xi32, #tpu.memory_space<hbm>> -> memref<80x128xi32, #tpu.memory_space<hbm>>
      tpu.wait_dma2 semaphore(%run_scoped3A : memref<!tpu.dma_semaphore, #tpu.memory_space<semaphore_mem>>) src(%dma_wait3A_33 : memref<80x128xi32, #tpu.memory_space<hbm>>) dst(%arg7 : memref<80x128xi32, #tpu.memory_space<vmem>>)
      tpu.yield
    }) : () -> ()
    %mul3A_5 = arith.constant 80 : i32
    %mul3A_6 = arith.muli %add3A, %mul3A_5 : i32
    "tpu.region"() ({
      %run_scoped3A = tpu.sem_alloc : memref<!tpu.dma_semaphore, #tpu.memory_space<semaphore_mem>>
      %dma_start3A_27 = arith.constant 0 : i32
      %dma_start3A_28 = tpu.memref_slice %arg4[%mul3A_6, %dma_start3A_27] : memref<2560x128xi32, #tpu.memory_space<hbm>> -> memref<80x128xi32, #tpu.memory_space<hbm>>
      %dma_start3A_29 = arith.constant 0 : i32
      %dma_start3A_30 = tpu.memref_slice %arg4[%mul3A_6, %dma_start3A_29] : memref<2560x128xi32, #tpu.memory_space<hbm>> -> memref<80x128xi32, #tpu.memory_space<hbm>>
      tpu.enqueue_dma source(%dma_start3A_30 : memref<80x128xi32, #tpu.memory_space<hbm>>) target(%arg8 : memref<80x128xi32, #tpu.memory_space<vmem>>) target_semaphore(%run_scoped3A : memref<!tpu.dma_semaphore, #tpu.memory_space<semaphore_mem>>)
      %dma_wait3A = arith.constant 0 : i32
      %dma_wait3A_31 = tpu.memref_slice %arg4[%mul3A_6, %dma_wait3A] : memref<2560x128xi32, #tpu.memory_space<hbm>> -> memref<80x128xi32, #tpu.memory_space<hbm>>
      %dma_wait3A_32 = arith.constant 0 : i32
      %dma_wait3A_33 = tpu.memref_slice %arg4[%mul3A_6, %dma_wait3A_32] : memref<2560x128xi32, #tpu.memory_space<hbm>> -> memref<80x128xi32, #tpu.memory_space<hbm>>
      tpu.wait_dma2 semaphore(%run_scoped3A : memref<!tpu.dma_semaphore, #tpu.memory_space<semaphore_mem>>) src(%dma_wait3A_33 : memref<80x128xi32, #tpu.memory_space<hbm>>) dst(%arg8 : memref<80x128xi32, #tpu.memory_space<vmem>>)
      tpu.yield
    }) : () -> ()
    %mul3A_7 = arith.constant 1568 : i32
    %mul3A_8 = arith.muli %arg1, %mul3A_7 : i32
    %mul3A_9 = arith.constant 1568 : i32
    %mul3A_10 = arith.muli %arg1, %mul3A_9 : i32
    "tpu.region"() ({
      %run_scoped3A = tpu.sem_alloc : memref<!tpu.dma_semaphore, #tpu.memory_space<semaphore_mem>>
      %dma_start3A_27 = arith.constant 0 : i32
      %dma_start3A_28 = tpu.memref_slice %arg11[%mul3A_10, %dma_start3A_27] : memref<25088x8xf32, #tpu.memory_space<vmem_shared>> -> memref<1568x8xf32, #tpu.memory_space<vmem_shared>>
      %dma_start3A_29 = arith.constant 0 : i32
      %dma_start3A_30 = tpu.memref_slice %arg5[%mul3A_8, %dma_start3A_29] : memref<25088x8xf32, #tpu.memory_space<hbm>> -> memref<1568x8xf32, #tpu.memory_space<hbm>>
      tpu.enqueue_dma source(%dma_start3A_30 : memref<1568x8xf32, #tpu.memory_space<hbm>>) target(%dma_start3A_28 : memref<1568x8xf32, #tpu.memory_space<vmem_shared>>) target_semaphore(%run_scoped3A : memref<!tpu.dma_semaphore, #tpu.memory_space<semaphore_mem>>)
      %dma_wait3A = arith.constant 0 : i32
      %dma_wait3A_31 = tpu.memref_slice %arg11[%mul3A_10, %dma_wait3A] : memref<25088x8xf32, #tpu.memory_space<vmem_shared>> -> memref<1568x8xf32, #tpu.memory_space<vmem_shared>>
      %dma_wait3A_32 = arith.constant 0 : i32
      %dma_wait3A_33 = tpu.memref_slice %arg5[%mul3A_8, %dma_wait3A_32] : memref<25088x8xf32, #tpu.memory_space<hbm>> -> memref<1568x8xf32, #tpu.memory_space<hbm>>
      tpu.wait_dma2 semaphore(%run_scoped3A : memref<!tpu.dma_semaphore, #tpu.memory_space<semaphore_mem>>) src(%dma_wait3A_33 : memref<1568x8xf32, #tpu.memory_space<hbm>>) dst(%dma_wait3A_31 : memref<1568x8xf32, #tpu.memory_space<vmem_shared>>)
      tpu.yield
    }) : () -> ()
    %barrier3A = arith.constant 0 : index
    tpu.barrier barrier_id(%barrier3A)
    %dma_start3A = arith.constant 0 : i32
    %dma_start3A_11 = arith.constant 0 : i32
    %dma_start3A_12 = tpu.memref_slice %arg7[%dma_start3A, %dma_start3A_11] : memref<80x128xi32, #tpu.memory_space<vmem>> -> memref<1x128xi32, #tpu.memory_space<vmem>>
    %dma_start3A_13 = tpu.memref_squeeze %dma_start3A_12 : memref<1x128xi32, #tpu.memory_space<vmem>> -> memref<128xi32, #tpu.memory_space<vmem>>
    %dma_start3A_14 = arith.constant 0 : i32
    %dma_start3A_15 = arith.constant 0 : i32
    %dma_start3A_16 = tpu.memref_slice %arg2[%dma_start3A_14, %dma_start3A_15] : memref<25000x8xf32, #tpu.memory_space<hbm>> -> memref<25000x8xf32, #tpu.memory_space<hbm>>
    tpu.enqueue_indirect_dma source(%dma_start3A_16 : memref<25000x8xf32, #tpu.memory_space<hbm>>) target(%arg9 : memref<128x8xf32, #tpu.memory_space<vmem>>) offsets(%dma_start3A_13 : memref<128xi32, #tpu.memory_space<vmem>>) semaphore(%arg12 : memref<!tpu.dma_semaphore, #tpu.memory_space<semaphore_mem>>)
    %scan3A = arith.constant 0 : i32
    %scan3A_17 = arith.constant 0 : i32
    %scan3A_18 = arith.constant 40 : i32
    %scan3A_19 = arith.addi %scan3A_17, %scan3A_18 : i32
    %scan3A_20 = arith.constant 1 : i32
    scf.for %scan3A_27 = %scan3A_17 to %scan3A_19 step %scan3A_20  : i32 {
      %mul3A_28 = arith.constant 2 : i32
      %mul3A_29 = arith.muli %scan3A_27, %mul3A_28 : i32
      %add3A_30 = arith.constant 1 : i32
      %add3A_31 = arith.addi %mul3A_29, %add3A_30 : i32
      %dma_start3A_32 = arith.constant 0 : i32
      %dma_start3A_33 = tpu.memref_slice %arg7[%add3A_31, %dma_start3A_32] : memref<80x128xi32, #tpu.memory_space<vmem>> -> memref<1x128xi32, #tpu.memory_space<vmem>>
      %dma_start3A_34 = tpu.memref_squeeze %dma_start3A_33 : memref<1x128xi32, #tpu.memory_space<vmem>> -> memref<128xi32, #tpu.memory_space<vmem>>
      %dma_start3A_35 = arith.constant 0 : i32
      %dma_start3A_36 = arith.constant 0 : i32
      %dma_start3A_37 = tpu.memref_slice %arg2[%dma_start3A_35, %dma_start3A_36] : memref<25000x8xf32, #tpu.memory_space<hbm>> -> memref<25000x8xf32, #tpu.memory_space<hbm>>
      tpu.enqueue_indirect_dma source(%dma_start3A_37 : memref<25000x8xf32, #tpu.memory_space<hbm>>) target(%arg10 : memref<128x8xf32, #tpu.memory_space<vmem>>) offsets(%dma_start3A_34 : memref<128xi32, #tpu.memory_space<vmem>>) semaphore(%arg13 : memref<!tpu.dma_semaphore, #tpu.memory_space<semaphore_mem>>)
      %dma_wait3A = arith.constant 0 : i32
      %dma_wait3A_38 = tpu.memref_slice %arg7[%mul3A_29, %dma_wait3A] : memref<80x128xi32, #tpu.memory_space<vmem>> -> memref<1x128xi32, #tpu.memory_space<vmem>>
      %dma_wait3A_39 = tpu.memref_squeeze %dma_wait3A_38 : memref<1x128xi32, #tpu.memory_space<vmem>> -> memref<128xi32, #tpu.memory_space<vmem>>
      %dma_wait3A_40 = arith.constant 0 : i32
      %dma_wait3A_41 = arith.constant 0 : i32
      %dma_wait3A_42 = tpu.memref_slice %arg2[%dma_wait3A_40, %dma_wait3A_41] : memref<25000x8xf32, #tpu.memory_space<hbm>> -> memref<25000x8xf32, #tpu.memory_space<hbm>>
      tpu.wait_indirect_dma semaphore(%arg12 : memref<!tpu.dma_semaphore, #tpu.memory_space<semaphore_mem>>) src(%dma_wait3A_42 : memref<25000x8xf32, #tpu.memory_space<hbm>>) dst(%arg9 : memref<128x8xf32, #tpu.memory_space<vmem>>)
      "tpu.region"() ({
        %run_scoped3A = tpu.sem_alloc : memref<!tpu.dma_semaphore, #tpu.memory_space<semaphore_mem>>
        %dma_start3A_57 = arith.constant 0 : i32
        %dma_start3A_58 = tpu.memref_slice %arg8[%mul3A_29, %dma_start3A_57] : memref<80x128xi32, #tpu.memory_space<vmem>> -> memref<1x128xi32, #tpu.memory_space<vmem>>
        %dma_start3A_59 = tpu.memref_squeeze %dma_start3A_58 : memref<1x128xi32, #tpu.memory_space<vmem>> -> memref<128xi32, #tpu.memory_space<vmem>>
        %dma_start3A_60 = arith.constant 0 : i32
        %dma_start3A_61 = arith.constant 0 : i32
        %dma_start3A_62 = tpu.memref_slice %arg11[%dma_start3A_60, %dma_start3A_61] : memref<25088x8xf32, #tpu.memory_space<vmem_shared>> -> memref<25088x8xf32, #tpu.memory_space<vmem_shared>>
        tpu.enqueue_indirect_dma source(%arg9 : memref<128x8xf32, #tpu.memory_space<vmem>>) target(%dma_start3A_62 : memref<25088x8xf32, #tpu.memory_space<vmem_shared>>) offsets(%dma_start3A_59 : memref<128xi32, #tpu.memory_space<vmem>>) semaphore(%run_scoped3A : memref<!tpu.dma_semaphore, #tpu.memory_space<semaphore_mem>>) {add = true}
        %dma_wait3A_63 = arith.constant 0 : i32
        %dma_wait3A_64 = tpu.memref_slice %arg8[%mul3A_29, %dma_wait3A_63] : memref<80x128xi32, #tpu.memory_space<vmem>> -> memref<1x128xi32, #tpu.memory_space<vmem>>
        %dma_wait3A_65 = tpu.memref_squeeze %dma_wait3A_64 : memref<1x128xi32, #tpu.memory_space<vmem>> -> memref<128xi32, #tpu.memory_space<vmem>>
        %dma_wait3A_66 = arith.constant 0 : i32
        %dma_wait3A_67 = arith.constant 0 : i32
        %dma_wait3A_68 = tpu.memref_slice %arg11[%dma_wait3A_66, %dma_wait3A_67] : memref<25088x8xf32, #tpu.memory_space<vmem_shared>> -> memref<25088x8xf32, #tpu.memory_space<vmem_shared>>
        tpu.wait_indirect_dma semaphore(%run_scoped3A : memref<!tpu.dma_semaphore, #tpu.memory_space<semaphore_mem>>) src(%arg9 : memref<128x8xf32, #tpu.memory_space<vmem>>) dst(%dma_wait3A_68 : memref<25088x8xf32, #tpu.memory_space<vmem_shared>>)
        tpu.yield
      }) : () -> ()
      %add3A_43 = arith.constant 2 : i32
      %add3A_44 = arith.addi %mul3A_29, %add3A_43 : i32
      %lt3A = arith.constant 80 : i32
      %lt3A_45 = arith.cmpi slt, %add3A_44, %lt3A : i32
      %convert_element_type3A = arith.extui %lt3A_45 : i1 to i32
      %cond3A = arith.constant 0 : i32
      %cond3A_46 = arith.cmpi ne, %convert_element_type3A, %cond3A : i32
      scf.if %cond3A_46 {
        %add3A_57 = arith.constant 2 : i32
        %add3A_58 = arith.addi %mul3A_29, %add3A_57 : i32
        %dma_start3A_59 = arith.constant 0 : i32
        %dma_start3A_60 = tpu.memref_slice %arg7[%add3A_58, %dma_start3A_59] : memref<80x128xi32, #tpu.memory_space<vmem>> -> memref<1x128xi32, #tpu.memory_space<vmem>>
        %dma_start3A_61 = tpu.memref_squeeze %dma_start3A_60 : memref<1x128xi32, #tpu.memory_space<vmem>> -> memref<128xi32, #tpu.memory_space<vmem>>
        %dma_start3A_62 = arith.constant 0 : i32
        %dma_start3A_63 = arith.constant 0 : i32
        %dma_start3A_64 = tpu.memref_slice %arg2[%dma_start3A_62, %dma_start3A_63] : memref<25000x8xf32, #tpu.memory_space<hbm>> -> memref<25000x8xf32, #tpu.memory_space<hbm>>
        tpu.enqueue_indirect_dma source(%dma_start3A_64 : memref<25000x8xf32, #tpu.memory_space<hbm>>) target(%arg9 : memref<128x8xf32, #tpu.memory_space<vmem>>) offsets(%dma_start3A_61 : memref<128xi32, #tpu.memory_space<vmem>>) semaphore(%arg12 : memref<!tpu.dma_semaphore, #tpu.memory_space<semaphore_mem>>)
      } else {
      }
      %add3A_47 = arith.constant 1 : i32
      %add3A_48 = arith.addi %mul3A_29, %add3A_47 : i32
      %dma_wait3A_49 = arith.constant 0 : i32
      %dma_wait3A_50 = tpu.memref_slice %arg7[%add3A_48, %dma_wait3A_49] : memref<80x128xi32, #tpu.memory_space<vmem>> -> memref<1x128xi32, #tpu.memory_space<vmem>>
      %dma_wait3A_51 = tpu.memref_squeeze %dma_wait3A_50 : memref<1x128xi32, #tpu.memory_space<vmem>> -> memref<128xi32, #tpu.memory_space<vmem>>
      %dma_wait3A_52 = arith.constant 0 : i32
      %dma_wait3A_53 = arith.constant 0 : i32
      %dma_wait3A_54 = tpu.memref_slice %arg2[%dma_wait3A_52, %dma_wait3A_53] : memref<25000x8xf32, #tpu.memory_space<hbm>> -> memref<25000x8xf32, #tpu.memory_space<hbm>>
      tpu.wait_indirect_dma semaphore(%arg13 : memref<!tpu.dma_semaphore, #tpu.memory_space<semaphore_mem>>) src(%dma_wait3A_54 : memref<25000x8xf32, #tpu.memory_space<hbm>>) dst(%arg10 : memref<128x8xf32, #tpu.memory_space<vmem>>)
      %add3A_55 = arith.constant 1 : i32
      %add3A_56 = arith.addi %mul3A_29, %add3A_55 : i32
      "tpu.region"() ({
        %run_scoped3A = tpu.sem_alloc : memref<!tpu.dma_semaphore, #tpu.memory_space<semaphore_mem>>
        %dma_start3A_57 = arith.constant 0 : i32
        %dma_start3A_58 = tpu.memref_slice %arg8[%add3A_56, %dma_start3A_57] : memref<80x128xi32, #tpu.memory_space<vmem>> -> memref<1x128xi32, #tpu.memory_space<vmem>>
        %dma_start3A_59 = tpu.memref_squeeze %dma_start3A_58 : memref<1x128xi32, #tpu.memory_space<vmem>> -> memref<128xi32, #tpu.memory_space<vmem>>
        %dma_start3A_60 = arith.constant 0 : i32
        %dma_start3A_61 = arith.constant 0 : i32
        %dma_start3A_62 = tpu.memref_slice %arg11[%dma_start3A_60, %dma_start3A_61] : memref<25088x8xf32, #tpu.memory_space<vmem_shared>> -> memref<25088x8xf32, #tpu.memory_space<vmem_shared>>
        tpu.enqueue_indirect_dma source(%arg10 : memref<128x8xf32, #tpu.memory_space<vmem>>) target(%dma_start3A_62 : memref<25088x8xf32, #tpu.memory_space<vmem_shared>>) offsets(%dma_start3A_59 : memref<128xi32, #tpu.memory_space<vmem>>) semaphore(%run_scoped3A : memref<!tpu.dma_semaphore, #tpu.memory_space<semaphore_mem>>) {add = true}
        %dma_wait3A_63 = arith.constant 0 : i32
        %dma_wait3A_64 = tpu.memref_slice %arg8[%add3A_56, %dma_wait3A_63] : memref<80x128xi32, #tpu.memory_space<vmem>> -> memref<1x128xi32, #tpu.memory_space<vmem>>
        %dma_wait3A_65 = tpu.memref_squeeze %dma_wait3A_64 : memref<1x128xi32, #tpu.memory_space<vmem>> -> memref<128xi32, #tpu.memory_space<vmem>>
        %dma_wait3A_66 = arith.constant 0 : i32
        %dma_wait3A_67 = arith.constant 0 : i32
        %dma_wait3A_68 = tpu.memref_slice %arg11[%dma_wait3A_66, %dma_wait3A_67] : memref<25088x8xf32, #tpu.memory_space<vmem_shared>> -> memref<25088x8xf32, #tpu.memory_space<vmem_shared>>
        tpu.wait_indirect_dma semaphore(%run_scoped3A : memref<!tpu.dma_semaphore, #tpu.memory_space<semaphore_mem>>) src(%arg10 : memref<128x8xf32, #tpu.memory_space<vmem>>) dst(%dma_wait3A_68 : memref<25088x8xf32, #tpu.memory_space<vmem_shared>>)
        tpu.yield
      }) : () -> ()
    }
    %scan3A_21 = arith.constant 40 : i32
    %barrier3A_22 = arith.constant 0 : index
    tpu.barrier barrier_id(%barrier3A_22)
    %mul3A_23 = arith.constant 1568 : i32
    %mul3A_24 = arith.muli %arg1, %mul3A_23 : i32
    %mul3A_25 = arith.constant 1568 : i32
    %mul3A_26 = arith.muli %arg1, %mul3A_25 : i32
    "tpu.region"() ({
      %run_scoped3A = tpu.sem_alloc : memref<!tpu.dma_semaphore, #tpu.memory_space<semaphore_mem>>
      %dma_start3A_27 = arith.constant 0 : i32
      %dma_start3A_28 = tpu.memref_slice %arg6[%arg0, %mul3A_26, %dma_start3A_27] : memref<2x25088x8xf32, #tpu.memory_space<hbm>> -> memref<1x1568x8xf32, #tpu.memory_space<hbm>>
      %dma_start3A_29 = tpu.memref_squeeze %dma_start3A_28 : memref<1x1568x8xf32, #tpu.memory_space<hbm>> -> memref<1568x8xf32, #tpu.memory_space<hbm>>
      %dma_start3A_30 = arith.constant 0 : i32
      %dma_start3A_31 = tpu.memref_slice %arg11[%mul3A_24, %dma_start3A_30] : memref<25088x8xf32, #tpu.memory_space<vmem_shared>> -> memref<1568x8xf32, #tpu.memory_space<vmem_shared>>
      tpu.enqueue_dma source(%dma_start3A_31 : memref<1568x8xf32, #tpu.memory_space<vmem_shared>>) target(%dma_start3A_29 : memref<1568x8xf32, #tpu.memory_space<hbm>>) target_semaphore(%run_scoped3A : memref<!tpu.dma_semaphore, #tpu.memory_space<semaphore_mem>>)
      %dma_wait3A = arith.constant 0 : i32
      %dma_wait3A_32 = tpu.memref_slice %arg6[%arg0, %mul3A_26, %dma_wait3A] : memref<2x25088x8xf32, #tpu.memory_space<hbm>> -> memref<1x1568x8xf32, #tpu.memory_space<hbm>>
      %dma_wait3A_33 = tpu.memref_squeeze %dma_wait3A_32 : memref<1x1568x8xf32, #tpu.memory_space<hbm>> -> memref<1568x8xf32, #tpu.memory_space<hbm>>
      %dma_wait3A_34 = arith.constant 0 : i32
      %dma_wait3A_35 = tpu.memref_slice %arg11[%mul3A_24, %dma_wait3A_34] : memref<25088x8xf32, #tpu.memory_space<vmem_shared>> -> memref<1568x8xf32, #tpu.memory_space<vmem_shared>>
      tpu.wait_dma2 semaphore(%run_scoped3A : memref<!tpu.dma_semaphore, #tpu.memory_space<semaphore_mem>>) src(%dma_wait3A_35 : memref<1568x8xf32, #tpu.memory_space<vmem_shared>>) dst(%dma_wait3A_33 : memref<1568x8xf32, #tpu.memory_space<hbm>>)
      tpu.yield
    }) : () -> ()
    return
  }
}

#map = affine_map<(d0, d1) -> (0, 0)>
#map1 = affine_map<(d0, d1) -> (0, 0, 0)>
module attributes {stable_mosaic.version = 14 : i64} {
  func.func @seg(%arg0: i32, %arg1: i32, %arg2: memref<25088x16xf32, #tpu.memory_space<hbm>>, %arg3: memref<2560x128xi32, #tpu.memory_space<hbm>>, %arg4: memref<2560x128xi32, #tpu.memory_space<hbm>>, %arg5: memref<25088x16xf32, #tpu.memory_space<hbm>>, %arg6: memref<2x25088x16xf32, #tpu.memory_space<hbm>>, %arg7: memref<80x128xi32, #tpu.memory_space<vmem>>, %arg8: memref<80x128xi32, #tpu.memory_space<vmem>>, %arg9: memref<128x16xf32, #tpu.memory_space<vmem>>, %arg10: memref<128x16xf32, #tpu.memory_space<vmem>>, %arg11: memref<25088x16xf32, #tpu.memory_space<vmem_shared>>, %arg12: memref<!tpu.dma_semaphore, #tpu.memory_space<semaphore_mem>>, %arg13: memref<!tpu.dma_semaphore, #tpu.memory_space<semaphore_mem>>) attributes {dimension_semantics = [#tpu.dimension_semantics<core_parallel>, #tpu.dimension_semantics<subcore_parallel>], iteration_bounds = array<i64: 2, 16>, scalar_prefetch = 0 : i64, scratch_operands = 7 : i64, tpu.core_type = #tpu.core_type<sc_vector_subcore>, window_params = [{transform_indices = #map}, {transform_indices = #map}, {transform_indices = #map}, {transform_indices = #map}, {transform_indices = #map1}]} {
    %mul3A = arith.constant 2 : i32
    %mul3A_0 = arith.muli %arg1, %mul3A : i32
    %add3A = arith.addi %mul3A_0, %arg0 : i32
    %mul3A_1 = arith.constant 10240 : i32
    %mul3A_2 = arith.muli %add3A, %mul3A_1 : i32
    %mul3A_3 = arith.constant 80 : i32
    %mul3A_4 = arith.muli %add3A, %mul3A_3 : i32
    "tpu.region"() ({
      %run_scoped3A = tpu.sem_alloc : memref<!tpu.dma_semaphore, #tpu.memory_space<semaphore_mem>>
      %dma_start3A_27 = arith.constant 0 : i32
      %dma_start3A_28 = tpu.memref_slice %arg3[%mul3A_4, %dma_start3A_27] : memref<2560x128xi32, #tpu.memory_space<hbm>> -> memref<80x128xi32, #tpu.memory_space<hbm>>
      %dma_start3A_29 = arith.constant 0 : i32
      %dma_start3A_30 = tpu.memref_slice %arg3[%mul3A_4, %dma_start3A_29] : memref<2560x128xi32, #tpu.memory_space<hbm>> -> memref<80x128xi32, #tpu.memory_space<hbm>>
      tpu.enqueue_dma source(%dma_start3A_30 : memref<80x128xi32, #tpu.memory_space<hbm>>) target(%arg7 : memref<80x128xi32, #tpu.memory_space<vmem>>) target_semaphore(%run_scoped3A : memref<!tpu.dma_semaphore, #tpu.memory_space<semaphore_mem>>)
      %dma_wait3A = arith.constant 0 : i32
      %dma_wait3A_31 = tpu.memref_slice %arg3[%mul3A_4, %dma_wait3A] : memref<2560x128xi32, #tpu.memory_space<hbm>> -> memref<80x128xi32, #tpu.memory_space<hbm>>
      %dma_wait3A_32 = arith.constant 0 : i32
      %dma_wait3A_33 = tpu.memref_slice %arg3[%mul3A_4, %dma_wait3A_32] : memref<2560x128xi32, #tpu.memory_space<hbm>> -> memref<80x128xi32, #tpu.memory_space<hbm>>
      tpu.wait_dma2 semaphore(%run_scoped3A : memref<!tpu.dma_semaphore, #tpu.memory_space<semaphore_mem>>) src(%dma_wait3A_33 : memref<80x128xi32, #tpu.memory_space<hbm>>) dst(%arg7 : memref<80x128xi32, #tpu.memory_space<vmem>>)
      tpu.yield
    }) : () -> ()
    %mul3A_5 = arith.constant 80 : i32
    %mul3A_6 = arith.muli %add3A, %mul3A_5 : i32
    "tpu.region"() ({
      %run_scoped3A = tpu.sem_alloc : memref<!tpu.dma_semaphore, #tpu.memory_space<semaphore_mem>>
      %dma_start3A_27 = arith.constant 0 : i32
      %dma_start3A_28 = tpu.memref_slice %arg4[%mul3A_6, %dma_start3A_27] : memref<2560x128xi32, #tpu.memory_space<hbm>> -> memref<80x128xi32, #tpu.memory_space<hbm>>
      %dma_start3A_29 = arith.constant 0 : i32
      %dma_start3A_30 = tpu.memref_slice %arg4[%mul3A_6, %dma_start3A_29] : memref<2560x128xi32, #tpu.memory_space<hbm>> -> memref<80x128xi32, #tpu.memory_space<hbm>>
      tpu.enqueue_dma source(%dma_start3A_30 : memref<80x128xi32, #tpu.memory_space<hbm>>) target(%arg8 : memref<80x128xi32, #tpu.memory_space<vmem>>) target_semaphore(%run_scoped3A : memref<!tpu.dma_semaphore, #tpu.memory_space<semaphore_mem>>)
      %dma_wait3A = arith.constant 0 : i32
      %dma_wait3A_31 = tpu.memref_slice %arg4[%mul3A_6, %dma_wait3A] : memref<2560x128xi32, #tpu.memory_space<hbm>> -> memref<80x128xi32, #tpu.memory_space<hbm>>
      %dma_wait3A_32 = arith.constant 0 : i32
      %dma_wait3A_33 = tpu.memref_slice %arg4[%mul3A_6, %dma_wait3A_32] : memref<2560x128xi32, #tpu.memory_space<hbm>> -> memref<80x128xi32, #tpu.memory_space<hbm>>
      tpu.wait_dma2 semaphore(%run_scoped3A : memref<!tpu.dma_semaphore, #tpu.memory_space<semaphore_mem>>) src(%dma_wait3A_33 : memref<80x128xi32, #tpu.memory_space<hbm>>) dst(%arg8 : memref<80x128xi32, #tpu.memory_space<vmem>>)
      tpu.yield
    }) : () -> ()
    %mul3A_7 = arith.constant 1568 : i32
    %mul3A_8 = arith.muli %arg1, %mul3A_7 : i32
    %mul3A_9 = arith.constant 1568 : i32
    %mul3A_10 = arith.muli %arg1, %mul3A_9 : i32
    "tpu.region"() ({
      %run_scoped3A = tpu.sem_alloc : memref<!tpu.dma_semaphore, #tpu.memory_space<semaphore_mem>>
      %dma_start3A_27 = arith.constant 0 : i32
      %dma_start3A_28 = tpu.memref_slice %arg11[%mul3A_10, %dma_start3A_27] : memref<25088x16xf32, #tpu.memory_space<vmem_shared>> -> memref<1568x16xf32, #tpu.memory_space<vmem_shared>>
      %dma_start3A_29 = arith.constant 0 : i32
      %dma_start3A_30 = tpu.memref_slice %arg5[%mul3A_8, %dma_start3A_29] : memref<25088x16xf32, #tpu.memory_space<hbm>> -> memref<1568x16xf32, #tpu.memory_space<hbm>>
      tpu.enqueue_dma source(%dma_start3A_30 : memref<1568x16xf32, #tpu.memory_space<hbm>>) target(%dma_start3A_28 : memref<1568x16xf32, #tpu.memory_space<vmem_shared>>) target_semaphore(%run_scoped3A : memref<!tpu.dma_semaphore, #tpu.memory_space<semaphore_mem>>)
      %dma_wait3A = arith.constant 0 : i32
      %dma_wait3A_31 = tpu.memref_slice %arg11[%mul3A_10, %dma_wait3A] : memref<25088x16xf32, #tpu.memory_space<vmem_shared>> -> memref<1568x16xf32, #tpu.memory_space<vmem_shared>>
      %dma_wait3A_32 = arith.constant 0 : i32
      %dma_wait3A_33 = tpu.memref_slice %arg5[%mul3A_8, %dma_wait3A_32] : memref<25088x16xf32, #tpu.memory_space<hbm>> -> memref<1568x16xf32, #tpu.memory_space<hbm>>
      tpu.wait_dma2 semaphore(%run_scoped3A : memref<!tpu.dma_semaphore, #tpu.memory_space<semaphore_mem>>) src(%dma_wait3A_33 : memref<1568x16xf32, #tpu.memory_space<hbm>>) dst(%dma_wait3A_31 : memref<1568x16xf32, #tpu.memory_space<vmem_shared>>)
      tpu.yield
    }) : () -> ()
    %barrier3A = arith.constant 0 : index
    tpu.barrier barrier_id(%barrier3A)
    %dma_start3A = arith.constant 0 : i32
    %dma_start3A_11 = arith.constant 0 : i32
    %dma_start3A_12 = tpu.memref_slice %arg7[%dma_start3A, %dma_start3A_11] : memref<80x128xi32, #tpu.memory_space<vmem>> -> memref<1x128xi32, #tpu.memory_space<vmem>>
    %dma_start3A_13 = tpu.memref_squeeze %dma_start3A_12 : memref<1x128xi32, #tpu.memory_space<vmem>> -> memref<128xi32, #tpu.memory_space<vmem>>
    %dma_start3A_14 = arith.constant 0 : i32
    %dma_start3A_15 = arith.constant 0 : i32
    %dma_start3A_16 = tpu.memref_slice %arg2[%dma_start3A_14, %dma_start3A_15] : memref<25088x16xf32, #tpu.memory_space<hbm>> -> memref<25088x16xf32, #tpu.memory_space<hbm>>
    tpu.enqueue_indirect_dma source(%dma_start3A_16 : memref<25088x16xf32, #tpu.memory_space<hbm>>) target(%arg9 : memref<128x16xf32, #tpu.memory_space<vmem>>) offsets(%dma_start3A_13 : memref<128xi32, #tpu.memory_space<vmem>>) semaphore(%arg12 : memref<!tpu.dma_semaphore, #tpu.memory_space<semaphore_mem>>)
    %scan3A = arith.constant 0 : i32
    %scan3A_17 = arith.constant 0 : i32
    %scan3A_18 = arith.constant 40 : i32
    %scan3A_19 = arith.addi %scan3A_17, %scan3A_18 : i32
    %scan3A_20 = arith.constant 1 : i32
    scf.for %scan3A_27 = %scan3A_17 to %scan3A_19 step %scan3A_20  : i32 {
      %mul3A_28 = arith.constant 2 : i32
      %mul3A_29 = arith.muli %scan3A_27, %mul3A_28 : i32
      %add3A_30 = arith.constant 1 : i32
      %add3A_31 = arith.addi %mul3A_29, %add3A_30 : i32
      %dma_start3A_32 = arith.constant 0 : i32
      %dma_start3A_33 = tpu.memref_slice %arg7[%add3A_31, %dma_start3A_32] : memref<80x128xi32, #tpu.memory_space<vmem>> -> memref<1x128xi32, #tpu.memory_space<vmem>>
      %dma_start3A_34 = tpu.memref_squeeze %dma_start3A_33 : memref<1x128xi32, #tpu.memory_space<vmem>> -> memref<128xi32, #tpu.memory_space<vmem>>
      %dma_start3A_35 = arith.constant 0 : i32
      %dma_start3A_36 = arith.constant 0 : i32
      %dma_start3A_37 = tpu.memref_slice %arg2[%dma_start3A_35, %dma_start3A_36] : memref<25088x16xf32, #tpu.memory_space<hbm>> -> memref<25088x16xf32, #tpu.memory_space<hbm>>
      tpu.enqueue_indirect_dma source(%dma_start3A_37 : memref<25088x16xf32, #tpu.memory_space<hbm>>) target(%arg10 : memref<128x16xf32, #tpu.memory_space<vmem>>) offsets(%dma_start3A_34 : memref<128xi32, #tpu.memory_space<vmem>>) semaphore(%arg13 : memref<!tpu.dma_semaphore, #tpu.memory_space<semaphore_mem>>)
      %dma_wait3A = arith.constant 0 : i32
      %dma_wait3A_38 = tpu.memref_slice %arg7[%mul3A_29, %dma_wait3A] : memref<80x128xi32, #tpu.memory_space<vmem>> -> memref<1x128xi32, #tpu.memory_space<vmem>>
      %dma_wait3A_39 = tpu.memref_squeeze %dma_wait3A_38 : memref<1x128xi32, #tpu.memory_space<vmem>> -> memref<128xi32, #tpu.memory_space<vmem>>
      %dma_wait3A_40 = arith.constant 0 : i32
      %dma_wait3A_41 = arith.constant 0 : i32
      %dma_wait3A_42 = tpu.memref_slice %arg2[%dma_wait3A_40, %dma_wait3A_41] : memref<25088x16xf32, #tpu.memory_space<hbm>> -> memref<25088x16xf32, #tpu.memory_space<hbm>>
      tpu.wait_indirect_dma semaphore(%arg12 : memref<!tpu.dma_semaphore, #tpu.memory_space<semaphore_mem>>) src(%dma_wait3A_42 : memref<25088x16xf32, #tpu.memory_space<hbm>>) dst(%arg9 : memref<128x16xf32, #tpu.memory_space<vmem>>)
      "tpu.region"() ({
        %run_scoped3A = tpu.sem_alloc : memref<!tpu.dma_semaphore, #tpu.memory_space<semaphore_mem>>
        %dma_start3A_57 = arith.constant 0 : i32
        %dma_start3A_58 = tpu.memref_slice %arg8[%mul3A_29, %dma_start3A_57] : memref<80x128xi32, #tpu.memory_space<vmem>> -> memref<1x128xi32, #tpu.memory_space<vmem>>
        %dma_start3A_59 = tpu.memref_squeeze %dma_start3A_58 : memref<1x128xi32, #tpu.memory_space<vmem>> -> memref<128xi32, #tpu.memory_space<vmem>>
        %dma_start3A_60 = arith.constant 0 : i32
        %dma_start3A_61 = arith.constant 0 : i32
        %dma_start3A_62 = tpu.memref_slice %arg11[%dma_start3A_60, %dma_start3A_61] : memref<25088x16xf32, #tpu.memory_space<vmem_shared>> -> memref<25088x16xf32, #tpu.memory_space<vmem_shared>>
        tpu.enqueue_indirect_dma source(%arg9 : memref<128x16xf32, #tpu.memory_space<vmem>>) target(%dma_start3A_62 : memref<25088x16xf32, #tpu.memory_space<vmem_shared>>) offsets(%dma_start3A_59 : memref<128xi32, #tpu.memory_space<vmem>>) semaphore(%run_scoped3A : memref<!tpu.dma_semaphore, #tpu.memory_space<semaphore_mem>>) {add = true}
        %dma_wait3A_63 = arith.constant 0 : i32
        %dma_wait3A_64 = tpu.memref_slice %arg8[%mul3A_29, %dma_wait3A_63] : memref<80x128xi32, #tpu.memory_space<vmem>> -> memref<1x128xi32, #tpu.memory_space<vmem>>
        %dma_wait3A_65 = tpu.memref_squeeze %dma_wait3A_64 : memref<1x128xi32, #tpu.memory_space<vmem>> -> memref<128xi32, #tpu.memory_space<vmem>>
        %dma_wait3A_66 = arith.constant 0 : i32
        %dma_wait3A_67 = arith.constant 0 : i32
        %dma_wait3A_68 = tpu.memref_slice %arg11[%dma_wait3A_66, %dma_wait3A_67] : memref<25088x16xf32, #tpu.memory_space<vmem_shared>> -> memref<25088x16xf32, #tpu.memory_space<vmem_shared>>
        tpu.wait_indirect_dma semaphore(%run_scoped3A : memref<!tpu.dma_semaphore, #tpu.memory_space<semaphore_mem>>) src(%arg9 : memref<128x16xf32, #tpu.memory_space<vmem>>) dst(%dma_wait3A_68 : memref<25088x16xf32, #tpu.memory_space<vmem_shared>>)
        tpu.yield
      }) : () -> ()
      %add3A_43 = arith.constant 2 : i32
      %add3A_44 = arith.addi %mul3A_29, %add3A_43 : i32
      %lt3A = arith.constant 80 : i32
      %lt3A_45 = arith.cmpi slt, %add3A_44, %lt3A : i32
      %convert_element_type3A = arith.extui %lt3A_45 : i1 to i32
      %cond3A = arith.constant 0 : i32
      %cond3A_46 = arith.cmpi ne, %convert_element_type3A, %cond3A : i32
      scf.if %cond3A_46 {
        %add3A_57 = arith.constant 2 : i32
        %add3A_58 = arith.addi %mul3A_29, %add3A_57 : i32
        %dma_start3A_59 = arith.constant 0 : i32
        %dma_start3A_60 = tpu.memref_slice %arg7[%add3A_58, %dma_start3A_59] : memref<80x128xi32, #tpu.memory_space<vmem>> -> memref<1x128xi32, #tpu.memory_space<vmem>>
        %dma_start3A_61 = tpu.memref_squeeze %dma_start3A_60 : memref<1x128xi32, #tpu.memory_space<vmem>> -> memref<128xi32, #tpu.memory_space<vmem>>
        %dma_start3A_62 = arith.constant 0 : i32
        %dma_start3A_63 = arith.constant 0 : i32
        %dma_start3A_64 = tpu.memref_slice %arg2[%dma_start3A_62, %dma_start3A_63] : memref<25088x16xf32, #tpu.memory_space<hbm>> -> memref<25088x16xf32, #tpu.memory_space<hbm>>
        tpu.enqueue_indirect_dma source(%dma_start3A_64 : memref<25088x16xf32, #tpu.memory_space<hbm>>) target(%arg9 : memref<128x16xf32, #tpu.memory_space<vmem>>) offsets(%dma_start3A_61 : memref<128xi32, #tpu.memory_space<vmem>>) semaphore(%arg12 : memref<!tpu.dma_semaphore, #tpu.memory_space<semaphore_mem>>)
      } else {
      }
      %add3A_47 = arith.constant 1 : i32
      %add3A_48 = arith.addi %mul3A_29, %add3A_47 : i32
      %dma_wait3A_49 = arith.constant 0 : i32
      %dma_wait3A_50 = tpu.memref_slice %arg7[%add3A_48, %dma_wait3A_49] : memref<80x128xi32, #tpu.memory_space<vmem>> -> memref<1x128xi32, #tpu.memory_space<vmem>>
      %dma_wait3A_51 = tpu.memref_squeeze %dma_wait3A_50 : memref<1x128xi32, #tpu.memory_space<vmem>> -> memref<128xi32, #tpu.memory_space<vmem>>
      %dma_wait3A_52 = arith.constant 0 : i32
      %dma_wait3A_53 = arith.constant 0 : i32
      %dma_wait3A_54 = tpu.memref_slice %arg2[%dma_wait3A_52, %dma_wait3A_53] : memref<25088x16xf32, #tpu.memory_space<hbm>> -> memref<25088x16xf32, #tpu.memory_space<hbm>>
      tpu.wait_indirect_dma semaphore(%arg13 : memref<!tpu.dma_semaphore, #tpu.memory_space<semaphore_mem>>) src(%dma_wait3A_54 : memref<25088x16xf32, #tpu.memory_space<hbm>>) dst(%arg10 : memref<128x16xf32, #tpu.memory_space<vmem>>)
      %add3A_55 = arith.constant 1 : i32
      %add3A_56 = arith.addi %mul3A_29, %add3A_55 : i32
      "tpu.region"() ({
        %run_scoped3A = tpu.sem_alloc : memref<!tpu.dma_semaphore, #tpu.memory_space<semaphore_mem>>
        %dma_start3A_57 = arith.constant 0 : i32
        %dma_start3A_58 = tpu.memref_slice %arg8[%add3A_56, %dma_start3A_57] : memref<80x128xi32, #tpu.memory_space<vmem>> -> memref<1x128xi32, #tpu.memory_space<vmem>>
        %dma_start3A_59 = tpu.memref_squeeze %dma_start3A_58 : memref<1x128xi32, #tpu.memory_space<vmem>> -> memref<128xi32, #tpu.memory_space<vmem>>
        %dma_start3A_60 = arith.constant 0 : i32
        %dma_start3A_61 = arith.constant 0 : i32
        %dma_start3A_62 = tpu.memref_slice %arg11[%dma_start3A_60, %dma_start3A_61] : memref<25088x16xf32, #tpu.memory_space<vmem_shared>> -> memref<25088x16xf32, #tpu.memory_space<vmem_shared>>
        tpu.enqueue_indirect_dma source(%arg10 : memref<128x16xf32, #tpu.memory_space<vmem>>) target(%dma_start3A_62 : memref<25088x16xf32, #tpu.memory_space<vmem_shared>>) offsets(%dma_start3A_59 : memref<128xi32, #tpu.memory_space<vmem>>) semaphore(%run_scoped3A : memref<!tpu.dma_semaphore, #tpu.memory_space<semaphore_mem>>) {add = true}
        %dma_wait3A_63 = arith.constant 0 : i32
        %dma_wait3A_64 = tpu.memref_slice %arg8[%add3A_56, %dma_wait3A_63] : memref<80x128xi32, #tpu.memory_space<vmem>> -> memref<1x128xi32, #tpu.memory_space<vmem>>
        %dma_wait3A_65 = tpu.memref_squeeze %dma_wait3A_64 : memref<1x128xi32, #tpu.memory_space<vmem>> -> memref<128xi32, #tpu.memory_space<vmem>>
        %dma_wait3A_66 = arith.constant 0 : i32
        %dma_wait3A_67 = arith.constant 0 : i32
        %dma_wait3A_68 = tpu.memref_slice %arg11[%dma_wait3A_66, %dma_wait3A_67] : memref<25088x16xf32, #tpu.memory_space<vmem_shared>> -> memref<25088x16xf32, #tpu.memory_space<vmem_shared>>
        tpu.wait_indirect_dma semaphore(%run_scoped3A : memref<!tpu.dma_semaphore, #tpu.memory_space<semaphore_mem>>) src(%arg10 : memref<128x16xf32, #tpu.memory_space<vmem>>) dst(%dma_wait3A_68 : memref<25088x16xf32, #tpu.memory_space<vmem_shared>>)
        tpu.yield
      }) : () -> ()
    }
    %scan3A_21 = arith.constant 40 : i32
    %barrier3A_22 = arith.constant 0 : index
    tpu.barrier barrier_id(%barrier3A_22)
    %mul3A_23 = arith.constant 1568 : i32
    %mul3A_24 = arith.muli %arg1, %mul3A_23 : i32
    %mul3A_25 = arith.constant 1568 : i32
    %mul3A_26 = arith.muli %arg1, %mul3A_25 : i32
    "tpu.region"() ({
      %run_scoped3A = tpu.sem_alloc : memref<!tpu.dma_semaphore, #tpu.memory_space<semaphore_mem>>
      %dma_start3A_27 = arith.constant 0 : i32
      %dma_start3A_28 = tpu.memref_slice %arg6[%arg0, %mul3A_26, %dma_start3A_27] : memref<2x25088x16xf32, #tpu.memory_space<hbm>> -> memref<1x1568x16xf32, #tpu.memory_space<hbm>>
      %dma_start3A_29 = tpu.memref_squeeze %dma_start3A_28 : memref<1x1568x16xf32, #tpu.memory_space<hbm>> -> memref<1568x16xf32, #tpu.memory_space<hbm>>
      %dma_start3A_30 = arith.constant 0 : i32
      %dma_start3A_31 = tpu.memref_slice %arg11[%mul3A_24, %dma_start3A_30] : memref<25088x16xf32, #tpu.memory_space<vmem_shared>> -> memref<1568x16xf32, #tpu.memory_space<vmem_shared>>
      tpu.enqueue_dma source(%dma_start3A_31 : memref<1568x16xf32, #tpu.memory_space<vmem_shared>>) target(%dma_start3A_29 : memref<1568x16xf32, #tpu.memory_space<hbm>>) target_semaphore(%run_scoped3A : memref<!tpu.dma_semaphore, #tpu.memory_space<semaphore_mem>>)
      %dma_wait3A = arith.constant 0 : i32
      %dma_wait3A_32 = tpu.memref_slice %arg6[%arg0, %mul3A_26, %dma_wait3A] : memref<2x25088x16xf32, #tpu.memory_space<hbm>> -> memref<1x1568x16xf32, #tpu.memory_space<hbm>>
      %dma_wait3A_33 = tpu.memref_squeeze %dma_wait3A_32 : memref<1x1568x16xf32, #tpu.memory_space<hbm>> -> memref<1568x16xf32, #tpu.memory_space<hbm>>
      %dma_wait3A_34 = arith.constant 0 : i32
      %dma_wait3A_35 = tpu.memref_slice %arg11[%mul3A_24, %dma_wait3A_34] : memref<25088x16xf32, #tpu.memory_space<vmem_shared>> -> memref<1568x16xf32, #tpu.memory_space<vmem_shared>>
      tpu.wait_dma2 semaphore(%run_scoped3A : memref<!tpu.dma_semaphore, #tpu.memory_space<semaphore_mem>>) src(%dma_wait3A_35 : memref<1568x16xf32, #tpu.memory_space<vmem_shared>>) dst(%dma_wait3A_33 : memref<1568x16xf32, #tpu.memory_space<hbm>>)
      tpu.yield
    }) : () -> ()
    return
  }
}

module attributes {stable_mosaic.version = 14 : i64} {
  func.func @body(%arg0: memref<2x1568x128xf32, #tpu.memory_space<vmem>>, %arg1: memref<1568x64xf32, #tpu.memory_space<vmem>>, %arg2: memref<128x256xf32, #tpu.memory_space<vmem>>, %arg3: memref<64x256xf32, #tpu.memory_space<vmem>>, %arg4: memref<1x256xf32, #tpu.memory_space<vmem>>, %arg5: memref<1568x256xf32, #tpu.memory_space<vmem>>) attributes {dimension_semantics = [], scalar_prefetch = 0 : i64, scratch_operands = 0 : i64, tpu.core_type = #tpu.core_type<tc>} {
    %get3A = arith.constant 0 : index
    %get3A_0 = arith.constant 0 : index
    %get3A_1 = arith.constant 0 : index
    %get3A_2 = vector.load %arg0[%get3A, %get3A_0, %get3A_1] : memref<2x1568x128xf32, #tpu.memory_space<vmem>>, vector<1x1568x128xf32>
    %get3A_3 = vector.shape_cast %get3A_2 : vector<1x1568x128xf32> to vector<1568x128xf32>
    %get3A_4 = arith.constant 1 : index
    %get3A_5 = arith.constant 0 : index
    %get3A_6 = arith.constant 0 : index
    %get3A_7 = vector.load %arg0[%get3A_4, %get3A_5, %get3A_6] : memref<2x1568x128xf32, #tpu.memory_space<vmem>>, vector<1x1568x128xf32>
    %get3A_8 = vector.shape_cast %get3A_7 : vector<1x1568x128xf32> to vector<1568x128xf32>
    %add3A = arith.addf %get3A_3, %get3A_8 : vector<1568x128xf32>
    %get3A_9 = arith.constant 0 : index
    %get3A_10 = arith.constant 0 : index
    %get3A_11 = vector.load %arg2[%get3A_9, %get3A_10] : memref<128x256xf32, #tpu.memory_space<vmem>>, vector<128x256xf32>
    %dot_general3A = arith.constant dense<0.000000e+00> : vector<1568x256xf32>
    %dot_general3A_12 = tpu.matmul %add3A, %get3A_11, %dot_general3A {dimension_numbers = #tpu.dot_dimension_numbers<[1], [0], [0], [1], [0, 0, 1, 1], [], []>, precision = #tpu.contract_precision<fp32>, transpose_lhs_hint = false} : vector<1568x128xf32>, vector<128x256xf32>, vector<1568x256xf32> -> vector<1568x256xf32>
    %get3A_13 = arith.constant 0 : index
    %get3A_14 = arith.constant 0 : index
    %get3A_15 = vector.load %arg1[%get3A_13, %get3A_14] : memref<1568x64xf32, #tpu.memory_space<vmem>>, vector<1568x64xf32>
    %get3A_16 = arith.constant 0 : index
    %get3A_17 = arith.constant 0 : index
    %get3A_18 = vector.load %arg3[%get3A_16, %get3A_17] : memref<64x256xf32, #tpu.memory_space<vmem>>, vector<64x256xf32>
    %dot_general3A_19 = arith.constant dense<0.000000e+00> : vector<1568x256xf32>
    %dot_general3A_20 = tpu.matmul %get3A_15, %get3A_18, %dot_general3A_19 {dimension_numbers = #tpu.dot_dimension_numbers<[1], [0], [0], [1], [0, 0, 1, 1], [], []>, precision = #tpu.contract_precision<fp32>, transpose_lhs_hint = false} : vector<1568x64xf32>, vector<64x256xf32>, vector<1568x256xf32> -> vector<1568x256xf32>
    %add3A_21 = arith.addf %dot_general3A_12, %dot_general3A_20 : vector<1568x256xf32>
    %get3A_22 = arith.constant 0 : index
    %get3A_23 = arith.constant 0 : index
    %get3A_24 = vector.load %arg4[%get3A_22, %get3A_23] : memref<1x256xf32, #tpu.memory_space<vmem>>, vector<1x256xf32>
    %add3A_25 = vector.broadcast %get3A_24 : vector<1x256xf32> to vector<1568x256xf32>
    %add3A_26 = arith.addf %add3A_21, %add3A_25 : vector<1568x256xf32>
    %swap3A = arith.constant 0 : index
    %swap3A_27 = arith.constant 0 : index
    %swap3A_28 = vector.load %arg5[%swap3A, %swap3A_27] : memref<1568x256xf32, #tpu.memory_space<vmem>>, vector<1568x256xf32>
    tpu.vector_store %arg5[%swap3A, %swap3A_27], %add3A_26 {strides = array<i32>} : memref<1568x256xf32, #tpu.memory_space<vmem>>, vector<1568x256xf32>,
    return
  }
}

module attributes {stable_mosaic.version = 14 : i64} {
  func.func @body(%arg0: memref<2x3136x128xf32, #tpu.memory_space<vmem>>, %arg1: memref<3136x32xf32, #tpu.memory_space<vmem>>, %arg2: memref<128x128xf32, #tpu.memory_space<vmem>>, %arg3: memref<32x128xf32, #tpu.memory_space<vmem>>, %arg4: memref<1x128xf32, #tpu.memory_space<vmem>>, %arg5: memref<3136x128xf32, #tpu.memory_space<vmem>>) attributes {dimension_semantics = [], scalar_prefetch = 0 : i64, scratch_operands = 0 : i64, tpu.core_type = #tpu.core_type<tc>} {
    %get3A = arith.constant 0 : index
    %get3A_0 = arith.constant 0 : index
    %get3A_1 = arith.constant 0 : index
    %get3A_2 = vector.load %arg0[%get3A, %get3A_0, %get3A_1] : memref<2x3136x128xf32, #tpu.memory_space<vmem>>, vector<1x3136x128xf32>
    %get3A_3 = vector.shape_cast %get3A_2 : vector<1x3136x128xf32> to vector<3136x128xf32>
    %get3A_4 = arith.constant 1 : index
    %get3A_5 = arith.constant 0 : index
    %get3A_6 = arith.constant 0 : index
    %get3A_7 = vector.load %arg0[%get3A_4, %get3A_5, %get3A_6] : memref<2x3136x128xf32, #tpu.memory_space<vmem>>, vector<1x3136x128xf32>
    %get3A_8 = vector.shape_cast %get3A_7 : vector<1x3136x128xf32> to vector<3136x128xf32>
    %add3A = arith.addf %get3A_3, %get3A_8 : vector<3136x128xf32>
    %get3A_9 = arith.constant 0 : index
    %get3A_10 = arith.constant 0 : index
    %get3A_11 = vector.load %arg2[%get3A_9, %get3A_10] : memref<128x128xf32, #tpu.memory_space<vmem>>, vector<128x128xf32>
    %dot_general3A = arith.constant dense<0.000000e+00> : vector<3136x128xf32>
    %dot_general3A_12 = tpu.matmul %add3A, %get3A_11, %dot_general3A {dimension_numbers = #tpu.dot_dimension_numbers<[1], [0], [0], [1], [0, 0, 1, 1], [], []>, precision = #tpu.contract_precision<fp32>, transpose_lhs_hint = false} : vector<3136x128xf32>, vector<128x128xf32>, vector<3136x128xf32> -> vector<3136x128xf32>
    %get3A_13 = arith.constant 0 : index
    %get3A_14 = arith.constant 0 : index
    %get3A_15 = vector.load %arg1[%get3A_13, %get3A_14] : memref<3136x32xf32, #tpu.memory_space<vmem>>, vector<3136x32xf32>
    %get3A_16 = arith.constant 0 : index
    %get3A_17 = arith.constant 0 : index
    %get3A_18 = vector.load %arg3[%get3A_16, %get3A_17] : memref<32x128xf32, #tpu.memory_space<vmem>>, vector<32x128xf32>
    %dot_general3A_19 = arith.constant dense<0.000000e+00> : vector<3136x128xf32>
    %dot_general3A_20 = tpu.matmul %get3A_15, %get3A_18, %dot_general3A_19 {dimension_numbers = #tpu.dot_dimension_numbers<[1], [0], [0], [1], [0, 0, 1, 1], [], []>, precision = #tpu.contract_precision<fp32>, transpose_lhs_hint = false} : vector<3136x32xf32>, vector<32x128xf32>, vector<3136x128xf32> -> vector<3136x128xf32>
    %add3A_21 = arith.addf %dot_general3A_12, %dot_general3A_20 : vector<3136x128xf32>
    %get3A_22 = arith.constant 0 : index
    %get3A_23 = arith.constant 0 : index
    %get3A_24 = vector.load %arg4[%get3A_22, %get3A_23] : memref<1x128xf32, #tpu.memory_space<vmem>>, vector<1x128xf32>
    %add3A_25 = vector.broadcast %get3A_24 : vector<1x128xf32> to vector<3136x128xf32>
    %add3A_26 = arith.addf %add3A_21, %add3A_25 : vector<3136x128xf32>
    %swap3A = arith.constant 0 : index
    %swap3A_27 = arith.constant 0 : index
    %swap3A_28 = vector.load %arg5[%swap3A, %swap3A_27] : memref<3136x128xf32, #tpu.memory_space<vmem>>, vector<3136x128xf32>
    tpu.vector_store %arg5[%swap3A, %swap3A_27], %add3A_26 {strides = array<i32>} : memref<3136x128xf32, #tpu.memory_space<vmem>>, vector<3136x128xf32>,
    return
  }
}

</mosaic_0001>

<sc_bundles>
// kernel: kernel.6.cloned.1.call-start
scs
__scs_entry_jumppad:
0x0: {  	(pc) =	sbr.rel $0x88, $3  }
0x1: {  	(tag) =	ssettag $0x0;
	lr =	simm.s32 $0x1  }
0x2: {  	[smem:$0x3F8E] =	sst lr;
	_ =	strace $0xD0000000  }
0x3: {  	_ = 	snop  }
0x4: {  	_ = 	snop  }
0x5: {  	_ = 	snop  }
0x6: {  	_ = 	snop  }
0x7: {  	_ = 	snop  }
__scs_overlays_trampoline_lowered:
0x8: {  	[smem:$0x3F9D] =	sst s0  }
0x9: {  	[smem:$0x3F9E] =	sst s1  }
0xa: {  	[smem:$0x3F9F] =	sst s2  }
0xb: {  	[smem:$0x3FA0] =	sst s3  }
0xc: {  	[smem:$0x3FA1] =	sst s4  }
0xd: {  	[smem:$0x3FA2] =	sst s5  }
0xe: {  	[smem:$0x3FA3] =	sst s6  }
0xf: {  	[smem:$0x3FA4] =	sst s7  }
0x10: {  	[smem:$0x3FA5] =	sst s8  }
0x11: {  	[smem:$0x3FA6] =	sst s9;
	s0 =	simm.s32 @!p0 $0x0  }
0x12: {  	s1 =	sld [smem:$0x3F8C];
	s0 =	simm.s32 @p0 $0x1  }
0x13: {  	[smem:$0x3FA7] =	sst s0;
	s0 =	simm.s32 @!p1 $0x0  }
0x14: {  	s2 =	sld [smem:$0x3F8B];
	s0 =	simm.s32 @p1 $0x1  }
0x15: {  	[smem:$0x3FA8] =	sst s0;
	s0 =	simm.s32 @!p2 $0x0  }
0x16: {  	s3 =	sld [smem:$0x3FDB];
	s0 =	simm.s32 @p2 $0x1  }
0x17: {  	s4 =	simm.s32 $0x1BF5;
	[smem:$0x3FAA] =	sst s0  }
0x18: {  	s0 =	sld [smem:$0x3F8D];
	_ =	swait.ge [sflag:s4], $0x0  }
0x19: {  	s7 =	sld [smem:$0x3F8E]  }
0x1a: {  	s8 =	sadd.s32 $0xFFFFE003, lr  }
0x1b: {  	s9 =	sadd.s32 $0xFFFFFEF7, lr;
	s5 =	simm.s32 $0xFFFFFFFF;
	p2 =	slt.u32 s8, $0xFFFFF086  }
0x1c: {  	p1 =	slt.u32 s9, $0xF7A;
	s5 =	simm.s32 @!p2 $0x0  }
0x1d: {  	s5 =	simm.s32 @p1 $0x1;
	p0 =	seq.s32 s7, s2  }
0x1e: {  	s7 =	smul.u32 @!p0 $0xF7A, s2;
	p2 =	seq.s32 @!p0 s5, $0x0  }
0x1f: {  	s9 =	smul.u32 $0xF7A, s1;
	s8 =	simm.s32 @!p0 $0x1BF5;
	p2 =	por !p2, p0  }
0x20: {  	[sflag:s8] =	ssyncset.s32 @!p0 $0xFFFFF086;
	s6 =	sadd.s32 @!p0 s3, s7;
	s7 =	simm.s32 @!p0 $0x108  }
0x21: {  	s3 =	sadd.s32 s3, s9;
	s6 =	sadd.s32 @!p0 $0x88, s6;
	s7 =	simm.s32 @p2 $0x1082  }
0x22: {  	[simem:s7], [sflag:s8] =	dma.local @!p0 [hbm:s6], $0xF7A  }
0x23: {  	s9 =	sor.u32 $0xD0000000, s2;
	s6 =	simm.s32 $0x108;
	_ =	swait.ge @!p0 [sflag:s8], $0x0  }
0x24: {  	s3 =	sadd.s32 $0x88, s3;
	s6 =	simm.s32 @!p1 $0x1082;
	[sflag:s4] =	ssyncset.s32 $0xFFFFF086  }
0x25: {  	[simem:s6], [sflag:s4] =	dma.local [hbm:s3], $0xF7A  }
0x26: {  	[smem:$0x3F8E] =	sst s1;
	(tag) =	ssettag s2;
	_ =	strace s9  }
0x27: {  	s1 =	sld [smem:$0x3F9E]  }
0x28: {  	s2 =	sld [smem:$0x3F9F]  }
0x29: {  	s4 =	sld [smem:$0x3FA1]  }
0x2a: {  	p0 =	seq.s32 s5, $0x0;
	s5 =	sld [smem:$0x3FA2]  }
0x2b: {  	s6 =	sld [smem:$0x3FA3]  }
0x2c: {  	s7 =	sld [smem:$0x3FA4]  }
0x2d: {  	s3 =	simm.s32 $0x108;
	s8 =	sld [smem:$0x3FA5]  }
0x2e: {  	s3 =	simm.s32 @!p0 $0x1082;
	s9 =	sld [smem:$0x3FA6]  }
0x2f: {  	lr =	sadd.s32 s0, s3;
	s0 =	sld [smem:$0x3F9D]  }
0x30: {  	s3 =	sld [smem:$0x3FA0]  }
0x31: {  	[smem:$0x3FA9] =	sst s10  }
0x32: {  	s10 =	sld [smem:$0x3FA7];
	_ =	sdelay $0x3  }
0x33: {  	p0 =	seq.s32 s10, $0x1;
	s10 =	sld [smem:$0x3FA9];
	_ =	sdelay $0x3  }
0x34: {  	[smem:$0x3FA9] =	sst s10  }
0x35: {  	s10 =	sld [smem:$0x3FA8];
	_ =	sdelay $0x3  }
0x36: {  	p1 =	seq.s32 s10, $0x1;
	s10 =	sld [smem:$0x3FA9];
	_ =	sdelay $0x3  }
0x37: {  	[smem:$0x3FA9] =	sst s10  }
0x38: {  	s10 =	sld [smem:$0x3FAA]  }
0x39: {  	_ = 	snop;
	(pc) =	sbr.ind lr, $3  }
0x3a: {  	_ = 	snop  }
0x3b: {  	_ = 	snop  }
0x3c: {  	p2 =	seq.s32 s10, $0x1;
	s10 =	sld [smem:$0x3FA9]  }
0x3d: {  	_ =	shalt  }
0x3e: {  	_ =	shalt  }
0x3f: {  	_ =	shalt  }
0x40: {  	_ =	shalt  }
0x41: {  	_ =	shalt  }
0x42: {  	_ =	shalt  }
0x43: {  	_ =	shalt  }
0x44: {  	_ =	shalt  }
0x45: {  	_ =	shalt  }
0x46: {  	_ =	shalt  }
0x47: {  	_ =	shalt  }
0x48: {  	_ =	shalt  }
0x49: {  	_ =	shalt  }
0x4a: {  	_ =	shalt  }
0x4b: {  	_ =	shalt  }
0x4c: {  	_ =	shalt  }
0x4d: {  	_ =	shalt  }
0x4e: {  	_ =	shalt  }
0x4f: {  	_ =	shalt  }
0x50: {  	_ =	shalt  }
0x51: {  	_ =	shalt  }
0x52: {  	_ =	shalt  }
0x53: {  	_ =	shalt  }
0x54: {  	_ =	shalt  }
0x55: {  	_ =	shalt  }
0x56: {  	_ =	shalt  }
0x57: {  	_ =	shalt  }
0x58: {  	_ =	shalt  }
0x59: {  	_ =	shalt  }
0x5a: {  	_ =	shalt  }
0x5b: {  	_ =	shalt  }
0x5c: {  	_ =	shalt  }
0x5d: {  	_ =	shalt  }
0x5e: {  	_ =	shalt  }
0x5f: {  	_ =	shalt  }
0x60: {  	_ =	shalt  }
0x61: {  	_ =	shalt  }
0x62: {  	_ =	shalt  }
0x63: {  	_ =	shalt  }
0x64: {  	_ =	shalt  }
0x65: {  	_ =	shalt  }
0x66: {  	_ =	shalt  }
0x67: {  	_ =	shalt  }
0x68: {  	_ =	shalt  }
0x69: {  	_ =	shalt  }
0x6a: {  	_ =	shalt  }
0x6b: {  	_ =	shalt  }
0x6c: {  	_ =	shalt  }
0x6d: {  	_ =	shalt  }
0x6e: {  	_ =	shalt  }
0x6f: {  	_ =	shalt  }
0x70: {  	_ =	shalt  }
0x71: {  	_ =	shalt  }
0x72: {  	_ =	shalt  }
0x73: {  	_ =	shalt  }
0x74: {  	_ =	shalt  }
0x75: {  	_ =	shalt  }
0x76: {  	_ =	shalt  }
0x77: {  	_ =	shalt  }
0x78: {  	_ =	shalt  }
0x79: {  	_ =	shalt  }
0x7a: {  	_ =	shalt  }
0x7b: {  	_ =	shalt  }
0x7c: {  	_ =	shalt  }
0x7d: {  	_ =	shalt  }
0x7e: {  	_ =	shalt  }
0x7f: {  	_ =	shalt  }
0x80: {  	_ =	shalt  }
0x81: {  	_ =	shalt  }
0x82: {  	_ =	shalt  }
0x83: {  	_ =	shalt  }
0x84: {  	_ =	shalt  }
0x85: {  	_ =	shalt  }
0x86: {  	_ =	shalt  }
0x87: {  	_ =	shalt  }
.Lfunc_end0:
.L_simem_size_0:
called_computation_lowered:
.L_overlay_start_0:
0x88: {  	s2 =	sld [smem:$0x3FD9]  }
0x89: {  	s3 =	sld [smem:$0x3FFE];
	_ =	sdelay $0x1  }
0x8a: {  	s1 =	srdreg.scid  }
0x8b: {  	s0 =	sand.u32 $0x1, s1  }
0x8c: {  	s17 =	sshll.u32 s0, $0xA;
	s2 =	sadd.s32 s3, s2  }
0x8d: {  	s2 =	sadd.s32 s2, s17  }
0x8e: {  	[smem:$0x3FB5] =	sst s2  }
0x8f: {  	_ = 	snop  }
0x90: {  	s2 =	sld [smem:$0x3FD0];
	(tm) =	ssettm $0x1  }
0x91: {  	s18 =	sld [smem:$0x3FFB];
	_ =	sdelay $0x3  }
0x92: {  	_ =	strace s18  }
0x93: {  	s3 =	sld [smem:$0x3FFC];
	_ =	sdelay $0x3  }
0x94: {  	_ =	strace s3  }
0x95: {  	s3 =	sld [smem:$0x3FFD];
	_ =	sdelay $0x3  }
0x96: {  	_ =	strace s3  }
0x97: {  	_ =	strace $0x8FFFFFFF  }
0x98: {  	s19 =	sld [smem:$0x3FDB];
	_ =	sdelay $0x1  }
0x99: {  	s4 =	simm.s32 $_scs_section_size  }
0x9a: {  	s5 =	simm.s32 $_size__tile_overlayer_lowered;
	s6 =	simm.s32 $_tile_overlayer_lowered  }
0x9b: {  	s22 =	simm.s32 $0x1BFF;
	s21 =	sshll.u32 s6, $0x1;
	s3 =	sadd.s32 s4, s19  }
0x9c: {  	s7 =	simm.s32 $0x0;
	s20 =	sshll.u32 s5, $0x1;
	s5 =	sadd.s32 s21, s3  }
0x9d: {  	[timem:s7], [sflag:s22] =	dma.local [hbm:s5], s20  }
0x9e: {  	_ =	swait.ge [sflag:s22], s20  }
0x9f: {  	s4 =	ssub.s32 $0x0, s20;
	[sflag:s22] =	ssyncset.done $0x0  }
0xa0: {  	[sflag:s22] =	ssyncadd.s32 s4;
	_ =	sdelay $0x1  }
0xa1: {  	s23 =	simm.s32 $0x1B8B  }
0xa2: {  	_ =	swait.ge [sflag:s23], $0x1  }
0xa3: {  	[sflag:s23] =	ssyncset.done $0x0  }
0xa4: {  	s25 =	simm.s32 $0x1B8E;
	s24 =	sld [smem:$0x3FFE];
	[sflag:s23] =	ssyncadd.s32 $0xFFFFFFFF  }
0xa5: {  	s26 =	simm.s32 $execute0_lowered;
	[smem:$0x3FD2] =	sst s25  }
0xa6: {  	s5 =	sshll.u32 s26, $0x1;
	_ =	strace $0x80000046;
	[dreg:$0x1] =	wrdreg $0xFFFFFFFF  }
0xa7: {  	s28 =	simm.s32 $_size_execute0_lowered;
	s3 =	sadd.s32 s3, s5;
	[dreg:$0x0] =	wrdreg $0x0  }
0xa8: {  	s5 =	sshll.u32 s28, $0x1;
	[dreg:$0x2] =	wrdreg s3  }
0xa9: {  	[dreg:$0x3] =	wrdreg s5  }
0xaa: {  	[dreg:$0x4] =	wrdreg $0xC0  }
0xab: {  	_ =	task [dreg:s7], $0x5FFFF  }
0xac: {  	[dreg:$0x1] =	wrdreg $0xFFFFFFFF  }
0xad: {  	[dreg:$0x0] =	wrdreg $0x60  }
0xae: {  	[dreg:$0x2] =	wrdreg s24  }
0xaf: {  	[dreg:$0x3] =	wrdreg s2  }
0xb0: {  	[dreg:$0x4] =	wrdreg $0x58000  }
0xb1: {  	[dreg:$0x5] =	wrdreg $0x9  }
0xb2: {  	_ =	task.clear_ibuf [dreg:s7], $0x6FFFF;
	_ =	strace $0x90000046  }
0xb3: {  	s29 =	simm.s32 $0x9;
	_ =	strace $0x80000048  }
0xb4: {  	_ =	swait.ge [sflag:s29], $0x1  }
0xb5: {  	[sflag:s29] =	ssyncadd.s32 $0xFFFFFFFF  }
0xb6: {  	_ =	strace $0x90000048  }
0xb7: {  	_ =	sfence  }
0xb8: {  	s30 =	sld [smem:$0x0];
	_ =	sdelay $0x2  }
0xb9: {  	s31 =	sshll.u32 s1, $0xD;
	s1 =	sshrl.u32 s1, $0x2  }
0xba: {  	s3 =	sand.u32 $0x4000, s31;
	s1 =	sadd.s32 s1, s30  }
0xbb: {  	s0 =	sor.u32 s3, s0;
	s1 =	sshll.u32 s1, $0x11  }
0xbc: {  	s0 =	sor.u32 s1, s0  }
0xbd: {  	s0 =	sadd.s32 $0x8F2B, s0  }
0xbe: {  	[sflag:s0] =	ssyncadd.remote.s32 $0x1  }
0xbf: {  	_ =	sfence.sel $0xFFFF  }
0xc0: {  	[dreg:$0x0] =	wrdreg $0xFFFFFFFF;
	(pc) =	sbr.abs _section_cstart, $3  }
0xc1: {  	[dreg:$0x1] =	wrdreg $0xFFFFFFFF  }
0xc2: {  	_ =	task.clear_ibuf [dreg:s7], $0x2FFFF;
	_ =	strace $0x9FFFFFFF  }
0xc3: {  	(tm) =	ssettm $0x7FFFFFFF  }
tec
execute0_lowered:
.L_overlay_start_1:
0x0: {  	(tag) =	ssettag $0x1  }
0x1: {  	s5 =	rddreg [dreg:$0x0]  }
0x2: {  	s8 =	rddreg [dreg:$0x1];
	s1 =	srdreg.scid  }
0x3: {  	s0 =	stileid.u32;
	s2 =	rddreg [dreg:$0x2]  }
0x4: {  	s3 =	simm.s32 $0x0;
	s14 =	simm.s32 $0x80;
	s15 =	simm.s32 $0x5000  }
0x5: {  	s16 =	simm.s32 $0x5400;
	s17 =	simm.s32 $0x1;
	s18 =	simm.s32 $0x2  }
0x6: {  	s19 =	simm.s32 $0x2780;
	s20 =	simm.s32 $0x4F00;
	s21 =	simm.s32 $0x4F80  }
0x7: {  	s22 =	simm.s32 $0x0;
	s6 =	sand.u32 $0x1, s1;
	s1 =	rddreg [dreg:$0x3]  }
0x8: {  	s4 =	sshll.u32 s0, $0x1;
	[smem:$0x7FF] =	sst s3;
	s9 =	smul.u32 $0x3100, s0  }
0x9: {  	s4 =	sor.u32 s6, s4;
	s10 =	ssub.s32 $0x2, s6;
	s6 =	smul.u32 $0x31000, s6  }
0xa: {  	s31 =	sshll.u32 s0, $0x6;
	_ =	strace $0x80000047;
	s7 =	smul.u32 $0x500, s4  }
0xb: {  	s4 =	sadd.s32 $0x1800, s5;
	s11 =	sshrl.u32 s9, $0x3;
	s12 =	sshrl.u32 s10, $0x1  }
0xc: {  	s13 =	sadd.s32 s9, s2;
	s11 =	sadd.s32 s11, s5;
	s10 =	ssub.s32 s10, s12  }
0xd: {  	s30 =	sadd.s32 s9, s6;
	s13 =	sshrl.u32 s13, $0x3;
	s7 =	sadd.s32 s7, s5  }
0xe: {  	s12 =	sshrl.u32 s30, $0x3;
	s9 =	smax.u32 s10, $0x1;
	s10 =	simm.s32 $0x3  }
0xf: {  	s5 =	sadd.s32 $0x7A00, s7;
	s6 =	sadd.s32 $0x11A00, s7;
	s7 =	sadd.s32 $0x25A00, s11  }
0x10: {  	s8 =	sadd.s32 s8, s12;
	s11 =	simm.s32 $0x2800;
	s12 =	sor.u32 $0x1C03, s31  }
.LBB2_1:
0x11: {  	[tilespmem:s3], [sflag:$0x3] =	stream.linear.gather [hbm4b:s5+s3], $0x2800, $0x38;
	[tilespmem:$0x8900] =	vst v63  }
0x12: {  	_ =	swait.ge [sflag:s10], $0x2800  }
0x13: {  	[sflag:s10] =	ssyncset.done $0x0  }
0x14: {  	[sflag:s10] =	ssyncadd.s32 $0xFFFFD800  }
0x15: {  	[tilespmem:s11], [sflag:$0x3] =	stream.linear.gather [hbm4b:s6+s3], $0x2800, $0x38;
	[tilespmem:$0x8900] =	vst v63  }
0x16: {  	_ =	swait.ge [sflag:s10], $0x2800  }
0x17: {  	[sflag:s10] =	ssyncset.done $0x0  }
0x18: {  	[sflag:s10] =	ssyncadd.s32 $0xFFFFD800  }
0x19: {  	[spmem:s13], [sflag:s12] =	dma.local [hbm:s7], $0x620  }
0x1a: {  	_ =	swait.ge [sflag:s10], $0x620  }
0x1b: {  	[sflag:s10] =	ssyncset.done $0x0  }
0x1c: {  	[sflag:s10] =	ssyncadd.s32 $0xFFFFF9E0  }
0x1d: {  	[bflag:$0x0] =	sbarrier.arrive $0xFFFF  }
0x1e: {  	[tilespmem:s15], [sflag:$0x1] =	stream.indirect.gather [hbm4b:s4+s14], $0x8, s3, s14, $0xb8;
	[tilespmem:$0x8900] =	vst v63  }
0x1f: {  	s23 =	simm.s32 $0x80  }
0x20: {  	[tilespmem:s16], [sflag:$0x2] =	stream.indirect.gather [hbm4b:s4+s14], $0x8, s23, s14, $0xb8;
	[tilespmem:$0x8900] =	vst v63  }
0x21: {  	_ =	swait.ge [sflag:s17], $0x400  }
0x22: {  	[sflag:s17] =	ssyncset.done $0x0  }
0x23: {  	s29 =	simm.s32 $0x2800;
	[sflag:s17] =	ssyncadd.s32 $0xFFFFFC00  }
0x24: {  	[spmem:s2] =	stream.indirect.scatter.add.f32 [tilespmem:s15], [sflag:$0x3], $0x8, s29, s14, $0xb8;
	[tilespmem:$0x8900] =	vst v63  }
0x25: {  	_ =	swait.ge [sflag:s10], $0x400  }
0x26: {  	[sflag:s10] =	ssyncset.done $0x0  }
0x27: {  	s30 =	simm.s32 $0x100;
	[sflag:s10] =	ssyncadd.s32 $0xFFFFFC00  }
0x28: {  	[tilespmem:s15], [sflag:$0x1] =	stream.indirect.gather [hbm4b:s4+s14], $0x8, s30, s14, $0xb8;
	[tilespmem:$0x8900] =	vst v63  }
0x29: {  	_ =	swait.ge [sflag:s18], $0x400  }
0x2a: {  	[sflag:s18] =	ssyncset.done $0x0  }
0x2b: {  	s31 =	simm.s32 $0x2880;
	[sflag:s18] =	ssyncadd.s32 $0xFFFFFC00  }
0x2c: {  	[spmem:s2] =	stream.indirect.scatter.add.f32 [tilespmem:s16], [sflag:$0x3], $0x8, s31, s14, $0xb8;
	[tilespmem:$0x8900] =	vst v63  }
0x2d: {  	_ =	swait.ge [sflag:s10], $0x400  }
0x2e: {  	s24 =	simm.s32 $0x800;
	s23 =	simm.s32 $0x100;
	[sflag:s10] =	ssyncset.done $0x0  }
.LBB2_2:
0x2f: {  	s25 =	sadd.s32 $0x80, s23  }
0x30: {  	[sflag:s10] =	ssyncadd.s32 $0xFFFFFC00;
	s26 =	smov.u32 s24;
	s28 =	sadd.s32 $0x400, s24  }
0x31: {  	[tilespmem:s16], [sflag:$0x2] =	stream.indirect.gather [hbm4b:s4+s14], $0x8, s25, s14, $0xb8;
	[tilespmem:$0x8900] =	vst v63  }
0x32: {  	p0 =	sne.s32 s24, $0x9800;
	_ =	swait.ge [sflag:s17], $0x400  }
0x33: {  	[sflag:s17] =	ssyncset.done $0x0  }
0x34: {  	s24 =	sadd.s32 $0x2800, s23;
	[sflag:s17] =	ssyncadd.s32 $0xFFFFFC00  }
0x35: {  	[spmem:s2] =	stream.indirect.scatter.add.f32 [tilespmem:s15], [sflag:$0x3], $0x8, s24, s14, $0xb8;
	[tilespmem:$0x8900] =	vst v63  }
0x36: {  	_ =	swait.ge [sflag:s10], $0x400  }
0x37: {  	[sflag:s10] =	ssyncset.done $0x0  }
0x38: {  	s24 =	sadd.s32 $0x100, s23;
	[sflag:s10] =	ssyncadd.s32 $0xFFFFFC00  }
0x39: {  	[tilespmem:s15], [sflag:$0x1] =	stream.indirect.gather [hbm4b:s4+s14], $0x8, s24, s14, $0xb8;
	[tilespmem:$0x8900] =	vst v63  }
0x3a: {  	_ =	swait.ge [sflag:s18], $0x400  }
.Ltmp0:
0x3b: {  	[sflag:s18] =	ssyncset.done $0x0;
	(pc) =	sbr.rel @p0 .LBB2_2-.Ltmp0, $4  }
0x3c: {  	s23 =	sadd.s32 $0x2880, s23;
	[sflag:s18] =	ssyncadd.s32 $0xFFFFFC00  }
0x3d: {  	[spmem:s2] =	stream.indirect.scatter.add.f32 [tilespmem:s16], [sflag:$0x3], $0x8, s23, s14, $0xb8;
	[tilespmem:$0x8900] =	vst v63  }
0x3e: {  	_ =	swait.ge [sflag:s10], $0x400  }
0x3f: {  	s24 =	smov.u32 s28;
	s23 =	sshra.s32 s26, $0x2;
	[sflag:s10] =	ssyncset.done $0x0  }
0x40: {  	s24 =	sadd.s32 $0x80, s23;
	[sflag:s10] =	ssyncadd.s32 $0xFFFFFC00  }
0x41: {  	[tilespmem:s16], [sflag:$0x2] =	stream.indirect.gather [hbm4b:s4+s14], $0x8, s24, s14, $0xb8;
	[tilespmem:$0x8900] =	vst v63  }
0x42: {  	_ =	swait.ge [sflag:s17], $0x400  }
0x43: {  	[sflag:s17] =	ssyncset.done $0x0  }
0x44: {  	s29 =	sadd.s32 $0x2800, s23;
	[sflag:s17] =	ssyncadd.s32 $0xFFFFFC00  }
0x45: {  	[spmem:s2] =	stream.indirect.scatter.add.f32 [tilespmem:s15], [sflag:$0x3], $0x8, s29, s14, $0xb8;
	[tilespmem:$0x8900] =	vst v63  }
0x46: {  	_ =	swait.ge [sflag:s10], $0x400  }
0x47: {  	[sflag:s10] =	ssyncset.done $0x0  }
0x48: {  	s30 =	sadd.s32 $0x100, s23;
	[sflag:s10] =	ssyncadd.s32 $0xFFFFFC00  }
0x49: {  	[tilespmem:s15], [sflag:$0x1] =	stream.indirect.gather [hbm4b:s4+s14], $0x8, s30, s14, $0xb8;
	[tilespmem:$0x8900] =	vst v63  }
0x4a: {  	_ =	swait.ge [sflag:s18], $0x400  }
0x4b: {  	[sflag:s18] =	ssyncset.done $0x0  }
0x4c: {  	s31 =	sadd.s32 $0x2880, s23;
	[sflag:s18] =	ssyncadd.s32 $0xFFFFFC00  }
0x4d: {  	[spmem:s2] =	stream.indirect.scatter.add.f32 [tilespmem:s16], [sflag:$0x3], $0x8, s31, s14, $0xb8;
	[tilespmem:$0x8900] =	vst v63  }
0x4e: {  	_ =	swait.ge [sflag:s10], $0x400  }
0x4f: {  	[sflag:s10] =	ssyncset.done $0x0  }
0x50: {  	[sflag:s10] =	ssyncadd.s32 $0xFFFFFC00  }
0x51: {  	[tilespmem:s16], [sflag:$0x2] =	stream.indirect.gather [hbm4b:s4+s14], $0x8, s19, s14, $0xb8;
	[tilespmem:$0x8900] =	vst v63  }
0x52: {  	_ =	swait.ge [sflag:s17], $0x400  }
0x53: {  	[sflag:s17] =	ssyncset.done $0x0  }
0x54: {  	[sflag:s17] =	ssyncadd.s32 $0xFFFFFC00  }
0x55: {  	[spmem:s2] =	stream.indirect.scatter.add.f32 [tilespmem:s15], [sflag:$0x3], $0x8, s20, s14, $0xb8;
	[tilespmem:$0x8900] =	vst v63  }
0x56: {  	_ =	swait.ge [sflag:s10], $0x400  }
0x57: {  	[sflag:s10] =	ssyncset.done $0x0  }
0x58: {  	[sflag:s10] =	ssyncadd.s32 $0xFFFFFC00  }
0x59: {  	_ =	swait.ge [sflag:s18], $0x400  }
0x5a: {  	[sflag:s18] =	ssyncset.done $0x0  }
0x5b: {  	[sflag:s18] =	ssyncadd.s32 $0xFFFFFC00  }
0x5c: {  	[spmem:s2] =	stream.indirect.scatter.add.f32 [tilespmem:s16], [sflag:$0x3], $0x8, s21, s14, $0xb8;
	[tilespmem:$0x8900] =	vst v63  }
0x5d: {  	_ =	swait.ge [sflag:s10], $0x400  }
0x5e: {  	s22 =	sadd.s32 $0x1, s22;
	[sflag:s10] =	ssyncset.done $0x0  }
0x5f: {  	p0 =	sne.s32 s22, s9;
	[sflag:s10] =	ssyncadd.s32 $0xFFFFFC00  }
.Ltmp1:
0x60: {  	[bflag:$0x0] =	sbarrier.arrive $0xFFFF;
	(pc) =	sbr.rel @p0 .LBB2_1-.Ltmp1, $4  }
0x61: {  	[hbm:s8], [sflag:s12] =	dma.local [spmem:s13], $0x620  }
0x62: {  	_ =	swait.ge [sflag:s10], $0x620  }
0x63: {  	[sflag:s10] =	ssyncset.done $0x0  }
0x64: {  	[sflag:s10] =	ssyncadd.s32 $0xFFFFF9E0  }
0x65: {  	_ =	sfence.sel $0x180000  }
0x66: {  	[bflag:$0x0] =	sbarrier.arrive $0xFFFF  }
0x67: {  	p0 =	sne.s32 s0, $0x0;
	_ =	strace $0x90000047  }
0x68: {  	s0 =	sadd.s32 @!p0 $0x100000, s1;
	[bflag:$0x2] =	sbarrier.arrive $0xFFFF  }
0x69: {  	[sflag:s0] =	ssyncadd.tile.s32 @!p0 $0x1;
	_ =	shalt  }
.Lfunc_end2:
_tile_overlayer_lowered:
.L_overlay_start_2:
0x6a: {  	(tag) =	ssettag $0x2  }
0x6b: {  	s0 =	rddreg [dreg:$0x0];
	s2 =	stileid.u32  }
0x6c: {  	s1 =	rddreg [dreg:$0x1];
	p0 =	sne.s32 s2, $0x0  }
0x6d: {  	s3 =	rddreg [dreg:$0x2];
	[bflag:$0x3] =	sbarrier.arrive $0xFFFF;
	s2 =	simm.s32 @!p0 $0x1C03  }
0x6e: {  	[timem:s3], [sflag:s2] =	dma.local @!p0 [hbm:s0], s1  }
0x6f: {  	s0 =	simm.s32 @!p0 $0x3  }
0x70: {  	_ =	swait.ge @!p0 [sflag:s0], s1  }
0x71: {  	s1 =	ssub.s32 @!p0 $0x0, s1;
	[sflag:s0] =	ssyncset.done @!p0 $0x0  }
0x72: {  	[sflag:s0] =	ssyncadd.s32 @!p0 s1  }
0x73: {  	[bflag:$0x3] =	sbarrier.arrive $0xFFFF  }
0x74: {  	_ =	shalt  }

// kernel: kernel.9.cloned.1.call-start
scs
__scs_entry_jumppad:
0x0: {  	(pc) =	sbr.rel $0x88, $3  }
0x1: {  	(tag) =	ssettag $0x0;
	lr =	simm.s32 $0x1  }
0x2: {  	[smem:$0x3F8E] =	sst lr;
	_ =	strace $0xD0000000  }
0x3: {  	_ = 	snop  }
0x4: {  	_ = 	snop  }
0x5: {  	_ = 	snop  }
0x6: {  	_ = 	snop  }
0x7: {  	_ = 	snop  }
__scs_overlays_trampoline_lowered:
0x8: {  	[smem:$0x3F9D] =	sst s0  }
0x9: {  	[smem:$0x3F9E] =	sst s1  }
0xa: {  	[smem:$0x3F9F] =	sst s2  }
0xb: {  	[smem:$0x3FA0] =	sst s3  }
0xc: {  	[smem:$0x3FA1] =	sst s4  }
0xd: {  	[smem:$0x3FA2] =	sst s5  }
0xe: {  	[smem:$0x3FA3] =	sst s6  }
0xf: {  	[smem:$0x3FA4] =	sst s7  }
0x10: {  	[smem:$0x3FA5] =	sst s8  }
0x11: {  	[smem:$0x3FA6] =	sst s9;
	s0 =	simm.s32 @!p0 $0x0  }
0x12: {  	s1 =	sld [smem:$0x3F8C];
	s0 =	simm.s32 @p0 $0x1  }
0x13: {  	[smem:$0x3FA7] =	sst s0;
	s0 =	simm.s32 @!p1 $0x0  }
0x14: {  	s2 =	sld [smem:$0x3F8B];
	s0 =	simm.s32 @p1 $0x1  }
0x15: {  	[smem:$0x3FA8] =	sst s0;
	s0 =	simm.s32 @!p2 $0x0  }
0x16: {  	s3 =	sld [smem:$0x3FDB];
	s0 =	simm.s32 @p2 $0x1  }
0x17: {  	s4 =	simm.s32 $0x1BF5;
	[smem:$0x3FAA] =	sst s0  }
0x18: {  	s0 =	sld [smem:$0x3F8D];
	_ =	swait.ge [sflag:s4], $0x0  }
0x19: {  	s7 =	sld [smem:$0x3F8E]  }
0x1a: {  	s8 =	sadd.s32 $0xFFFFE003, lr  }
0x1b: {  	s9 =	sadd.s32 $0xFFFFFEF7, lr;
	s5 =	simm.s32 $0xFFFFFFFF;
	p2 =	slt.u32 s8, $0xFFFFF086  }
0x1c: {  	p1 =	slt.u32 s9, $0xF7A;
	s5 =	simm.s32 @!p2 $0x0  }
0x1d: {  	s5 =	simm.s32 @p1 $0x1;
	p0 =	seq.s32 s7, s2  }
0x1e: {  	s7 =	smul.u32 @!p0 $0xF7A, s2;
	p2 =	seq.s32 @!p0 s5, $0x0  }
0x1f: {  	s9 =	smul.u32 $0xF7A, s1;
	s8 =	simm.s32 @!p0 $0x1BF5;
	p2 =	por !p2, p0  }
0x20: {  	[sflag:s8] =	ssyncset.s32 @!p0 $0xFFFFF086;
	s6 =	sadd.s32 @!p0 s3, s7;
	s7 =	simm.s32 @!p0 $0x108  }
0x21: {  	s3 =	sadd.s32 s3, s9;
	s6 =	sadd.s32 @!p0 $0x88, s6;
	s7 =	simm.s32 @p2 $0x1082  }
0x22: {  	[simem:s7], [sflag:s8] =	dma.local @!p0 [hbm:s6], $0xF7A  }
0x23: {  	s9 =	sor.u32 $0xD0000000, s2;
	s6 =	simm.s32 $0x108;
	_ =	swait.ge @!p0 [sflag:s8], $0x0  }
0x24: {  	s3 =	sadd.s32 $0x88, s3;
	s6 =	simm.s32 @!p1 $0x1082;
	[sflag:s4] =	ssyncset.s32 $0xFFFFF086  }
0x25: {  	[simem:s6], [sflag:s4] =	dma.local [hbm:s3], $0xF7A  }
0x26: {  	[smem:$0x3F8E] =	sst s1;
	(tag) =	ssettag s2;
	_ =	strace s9  }
0x27: {  	s1 =	sld [smem:$0x3F9E]  }
0x28: {  	s2 =	sld [smem:$0x3F9F]  }
0x29: {  	s4 =	sld [smem:$0x3FA1]  }
0x2a: {  	p0 =	seq.s32 s5, $0x0;
	s5 =	sld [smem:$0x3FA2]  }
0x2b: {  	s6 =	sld [smem:$0x3FA3]  }
0x2c: {  	s7 =	sld [smem:$0x3FA4]  }
0x2d: {  	s3 =	simm.s32 $0x108;
	s8 =	sld [smem:$0x3FA5]  }
0x2e: {  	s3 =	simm.s32 @!p0 $0x1082;
	s9 =	sld [smem:$0x3FA6]  }
0x2f: {  	lr =	sadd.s32 s0, s3;
	s0 =	sld [smem:$0x3F9D]  }
0x30: {  	s3 =	sld [smem:$0x3FA0]  }
0x31: {  	[smem:$0x3FA9] =	sst s10  }
0x32: {  	s10 =	sld [smem:$0x3FA7];
	_ =	sdelay $0x3  }
0x33: {  	p0 =	seq.s32 s10, $0x1;
	s10 =	sld [smem:$0x3FA9];
	_ =	sdelay $0x3  }
0x34: {  	[smem:$0x3FA9] =	sst s10  }
0x35: {  	s10 =	sld [smem:$0x3FA8];
	_ =	sdelay $0x3  }
0x36: {  	p1 =	seq.s32 s10, $0x1;
	s10 =	sld [smem:$0x3FA9];
	_ =	sdelay $0x3  }
0x37: {  	[smem:$0x3FA9] =	sst s10  }
0x38: {  	s10 =	sld [smem:$0x3FAA]  }
0x39: {  	_ = 	snop;
	(pc) =	sbr.ind lr, $3  }
0x3a: {  	_ = 	snop  }
0x3b: {  	_ = 	snop  }
0x3c: {  	p2 =	seq.s32 s10, $0x1;
	s10 =	sld [smem:$0x3FA9]  }
0x3d: {  	_ =	shalt  }
0x3e: {  	_ =	shalt  }
0x3f: {  	_ =	shalt  }
0x40: {  	_ =	shalt  }
0x41: {  	_ =	shalt  }
0x42: {  	_ =	shalt  }
0x43: {  	_ =	shalt  }
0x44: {  	_ =	shalt  }
0x45: {  	_ =	shalt  }
0x46: {  	_ =	shalt  }
0x47: {  	_ =	shalt  }
0x48: {  	_ =	shalt  }
0x49: {  	_ =	shalt  }
0x4a: {  	_ =	shalt  }
0x4b: {  	_ =	shalt  }
0x4c: {  	_ =	shalt  }
0x4d: {  	_ =	shalt  }
0x4e: {  	_ =	shalt  }
0x4f: {  	_ =	shalt  }
0x50: {  	_ =	shalt  }
0x51: {  	_ =	shalt  }
0x52: {  	_ =	shalt  }
0x53: {  	_ =	shalt  }
0x54: {  	_ =	shalt  }
0x55: {  	_ =	shalt  }
0x56: {  	_ =	shalt  }
0x57: {  	_ =	shalt  }
0x58: {  	_ =	shalt  }
0x59: {  	_ =	shalt  }
0x5a: {  	_ =	shalt  }
0x5b: {  	_ =	shalt  }
0x5c: {  	_ =	shalt  }
0x5d: {  	_ =	shalt  }
0x5e: {  	_ =	shalt  }
0x5f: {  	_ =	shalt  }
0x60: {  	_ =	shalt  }
0x61: {  	_ =	shalt  }
0x62: {  	_ =	shalt  }
0x63: {  	_ =	shalt  }
0x64: {  	_ =	shalt  }
0x65: {  	_ =	shalt  }
0x66: {  	_ =	shalt  }
0x67: {  	_ =	shalt  }
0x68: {  	_ =	shalt  }
0x69: {  	_ =	shalt  }
0x6a: {  	_ =	shalt  }
0x6b: {  	_ =	shalt  }
0x6c: {  	_ =	shalt  }
0x6d: {  	_ =	shalt  }
0x6e: {  	_ =	shalt  }
0x6f: {  	_ =	shalt  }
0x70: {  	_ =	shalt  }
0x71: {  	_ =	shalt  }
0x72: {  	_ =	shalt  }
0x73: {  	_ =	shalt  }
0x74: {  	_ =	shalt  }
0x75: {  	_ =	shalt  }
0x76: {  	_ =	shalt  }
0x77: {  	_ =	shalt  }
0x78: {  	_ =	shalt  }
0x79: {  	_ =	shalt  }
0x7a: {  	_ =	shalt  }
0x7b: {  	_ =	shalt  }
0x7c: {  	_ =	shalt  }
0x7d: {  	_ =	shalt  }
0x7e: {  	_ =	shalt  }
0x7f: {  	_ =	shalt  }
0x80: {  	_ =	shalt  }
0x81: {  	_ =	shalt  }
0x82: {  	_ =	shalt  }
0x83: {  	_ =	shalt  }
0x84: {  	_ =	shalt  }
0x85: {  	_ =	shalt  }
0x86: {  	_ =	shalt  }
0x87: {  	_ =	shalt  }
.Lfunc_end0:
.L_simem_size_0:
called_computation.1_lowered:
.L_overlay_start_0:
0x88: {  	s2 =	sld [smem:$0x3FD9]  }
0x89: {  	s3 =	sld [smem:$0x3FFE];
	_ =	sdelay $0x1  }
0x8a: {  	s1 =	srdreg.scid  }
0x8b: {  	s0 =	sand.u32 $0x1, s1  }
0x8c: {  	s17 =	sshll.u32 s0, $0xA;
	s2 =	sadd.s32 s3, s2  }
0x8d: {  	s2 =	sadd.s32 s2, s17  }
0x8e: {  	[smem:$0x3FB5] =	sst s2  }
0x8f: {  	_ = 	snop  }
0x90: {  	s2 =	sld [smem:$0x3FD0];
	(tm) =	ssettm $0x1  }
0x91: {  	s18 =	sld [smem:$0x3FFB];
	_ =	sdelay $0x3  }
0x92: {  	_ =	strace s18  }
0x93: {  	s3 =	sld [smem:$0x3FFC];
	_ =	sdelay $0x3  }
0x94: {  	_ =	strace s3  }
0x95: {  	s3 =	sld [smem:$0x3FFD];
	_ =	sdelay $0x3  }
0x96: {  	_ =	strace s3  }
0x97: {  	_ =	strace $0x8FFFFFFF  }
0x98: {  	s19 =	sld [smem:$0x3FDB];
	_ =	sdelay $0x1  }
0x99: {  	s4 =	simm.s32 $_scs_section_size  }
0x9a: {  	s5 =	simm.s32 $_size__tile_overlayer_lowered;
	s6 =	simm.s32 $_tile_overlayer_lowered  }
0x9b: {  	s22 =	simm.s32 $0x1BFF;
	s21 =	sshll.u32 s6, $0x1;
	s3 =	sadd.s32 s4, s19  }
0x9c: {  	s7 =	simm.s32 $0x0;
	s20 =	sshll.u32 s5, $0x1;
	s5 =	sadd.s32 s21, s3  }
0x9d: {  	[timem:s7], [sflag:s22] =	dma.local [hbm:s5], s20  }
0x9e: {  	_ =	swait.ge [sflag:s22], s20  }
0x9f: {  	s4 =	ssub.s32 $0x0, s20;
	[sflag:s22] =	ssyncset.done $0x0  }
0xa0: {  	[sflag:s22] =	ssyncadd.s32 s4;
	_ =	sdelay $0x1  }
0xa1: {  	s23 =	simm.s32 $0x1B8B  }
0xa2: {  	_ =	swait.ge [sflag:s23], $0x1  }
0xa3: {  	[sflag:s23] =	ssyncset.done $0x0  }
0xa4: {  	s25 =	simm.s32 $0x1B8E;
	s24 =	sld [smem:$0x3FFE];
	[sflag:s23] =	ssyncadd.s32 $0xFFFFFFFF  }
0xa5: {  	s26 =	simm.s32 $execute0_lowered;
	[smem:$0x3FD2] =	sst s25  }
0xa6: {  	s5 =	sshll.u32 s26, $0x1;
	_ =	strace $0x80000049;
	[dreg:$0x1] =	wrdreg $0xFFFFFFFF  }
0xa7: {  	s28 =	simm.s32 $_size_execute0_lowered;
	s3 =	sadd.s32 s3, s5;
	[dreg:$0x0] =	wrdreg $0x0  }
0xa8: {  	s5 =	sshll.u32 s28, $0x1;
	[dreg:$0x2] =	wrdreg s3  }
0xa9: {  	[dreg:$0x3] =	wrdreg s5  }
0xaa: {  	[dreg:$0x4] =	wrdreg $0xC0  }
0xab: {  	_ =	task [dreg:s7], $0x5FFFF  }
0xac: {  	[dreg:$0x1] =	wrdreg $0xFFFFFFFF  }
0xad: {  	[dreg:$0x0] =	wrdreg $0x60  }
0xae: {  	[dreg:$0x2] =	wrdreg s2  }
0xaf: {  	[dreg:$0x3] =	wrdreg s24  }
0xb0: {  	[dreg:$0x4] =	wrdreg $0x60000  }
0xb1: {  	[dreg:$0x5] =	wrdreg $0x9  }
0xb2: {  	_ =	task.clear_ibuf [dreg:s7], $0x6FFFF;
	_ =	strace $0x90000049  }
0xb3: {  	s29 =	simm.s32 $0x9;
	_ =	strace $0x8000004B  }
0xb4: {  	_ =	swait.ge [sflag:s29], $0x1  }
0xb5: {  	[sflag:s29] =	ssyncadd.s32 $0xFFFFFFFF  }
0xb6: {  	_ =	strace $0x9000004B  }
0xb7: {  	_ =	sfence  }
0xb8: {  	s30 =	sld [smem:$0x0];
	_ =	sdelay $0x2  }
0xb9: {  	s31 =	sshll.u32 s1, $0xD;
	s1 =	sshrl.u32 s1, $0x2  }
0xba: {  	s3 =	sand.u32 $0x4000, s31;
	s1 =	sadd.s32 s1, s30  }
0xbb: {  	s0 =	sor.u32 s3, s0;
	s1 =	sshll.u32 s1, $0x11  }
0xbc: {  	s0 =	sor.u32 s1, s0  }
0xbd: {  	s0 =	sadd.s32 $0x8F2B, s0  }
0xbe: {  	[sflag:s0] =	ssyncadd.remote.s32 $0x1  }
0xbf: {  	_ =	sfence.sel $0xFFFF  }
0xc0: {  	[dreg:$0x0] =	wrdreg $0xFFFFFFFF;
	(pc) =	sbr.abs _section_cstart, $3  }
0xc1: {  	[dreg:$0x1] =	wrdreg $0xFFFFFFFF  }
0xc2: {  	_ =	task.clear_ibuf [dreg:s7], $0x2FFFF;
	_ =	strace $0x9FFFFFFF  }
0xc3: {  	(tm) =	ssettm $0x7FFFFFFF  }
tec
execute0_lowered:
.L_overlay_start_1:
0x0: {  	(tag) =	ssettag $0x1  }
0x1: {  	s2 =	rddreg [dreg:$0x0]  }
0x2: {  	s1 =	srdreg.scid;
	s6 =	rddreg [dreg:$0x1]  }
0x3: {  	s0 =	stileid.u32;
	s3 =	rddreg [dreg:$0x2]  }
0x4: {  	s4 =	simm.s32 $0x0;
	s14 =	simm.s32 $0x80;
	s15 =	simm.s32 $0x5000  }
0x5: {  	s16 =	simm.s32 $0x5800;
	s17 =	simm.s32 $0x1;
	s18 =	simm.s32 $0x2  }
0x6: {  	s19 =	simm.s32 $0x2780;
	s20 =	simm.s32 $0x4F00;
	s21 =	simm.s32 $0x4F80  }
0x7: {  	s22 =	simm.s32 $0x0;
	s5 =	sand.u32 $0x1, s1;
	s30 =	sshll.u32 s0, $0x1  }
0x8: {  	s8 =	smul.u32 $0x6200, s0;
	[smem:$0x7FF] =	sst s4;
	s12 =	sshll.u32 s0, $0x6  }
0x9: {  	s1 =	sor.u32 s5, s30;
	s9 =	smul.u32 $0x62000, s5;
	s5 =	ssub.s32 $0x2, s5  }
0xa: {  	s12 =	sor.u32 $0x1C03, s12;
	s7 =	smul.u32 $0x500, s1;
	s1 =	rddreg [dreg:$0x3]  }
0xb: {  	_ =	strace $0x8000004A;
	s10 =	sshrl.u32 s8, $0x3;
	s31 =	sshrl.u32 s5, $0x1  }
0xc: {  	s13 =	sadd.s32 s8, s3;
	s9 =	sadd.s32 s8, s9;
	s10 =	sadd.s32 s10, s6  }
0xd: {  	s11 =	ssub.s32 s5, s31;
	s7 =	sadd.s32 s7, s6;
	s9 =	sshrl.u32 s9, $0x3  }
0xe: {  	s13 =	sshrl.u32 s13, $0x3;
	s9 =	sadd.s32 s9, s6;
	s5 =	sadd.s32 $0x2BC00, s7  }
0xf: {  	s6 =	sadd.s32 $0x1BA00, s7;
	s7 =	sadd.s32 $0x1800, s10;
	s10 =	simm.s32 $0x3  }
0x10: {  	s8 =	sadd.s32 $0x35C00, s9;
	s9 =	smax.u32 s11, $0x1;
	s11 =	simm.s32 $0x2800  }
.LBB2_1:
0x11: {  	[tilespmem:s4], [sflag:$0x3] =	stream.linear.gather [hbm4b:s5+s4], $0x2800, $0x38;
	[tilespmem:$0xC200] =	vst v63  }
0x12: {  	_ =	swait.ge [sflag:s10], $0x2800  }
0x13: {  	[sflag:s10] =	ssyncset.done $0x0  }
0x14: {  	[sflag:s10] =	ssyncadd.s32 $0xFFFFD800  }
0x15: {  	[tilespmem:s11], [sflag:$0x3] =	stream.linear.gather [hbm4b:s6+s4], $0x2800, $0x38;
	[tilespmem:$0xC200] =	vst v63  }
0x16: {  	_ =	swait.ge [sflag:s10], $0x2800  }
0x17: {  	[sflag:s10] =	ssyncset.done $0x0  }
0x18: {  	[sflag:s10] =	ssyncadd.s32 $0xFFFFD800  }
0x19: {  	[spmem:s13], [sflag:s12] =	dma.local [hbm:s7], $0xC40  }
0x1a: {  	_ =	swait.ge [sflag:s10], $0xC40  }
0x1b: {  	[sflag:s10] =	ssyncset.done $0x0  }
0x1c: {  	[sflag:s10] =	ssyncadd.s32 $0xFFFFF3C0  }
0x1d: {  	[bflag:$0x0] =	sbarrier.arrive $0xFFFF  }
0x1e: {  	[tilespmem:s15], [sflag:$0x1] =	stream.indirect.gather [hbm4b:s2+s14], $0x10, s4, s14, $0xb8;
	[tilespmem:$0xC200] =	vst v63  }
0x1f: {  	s23 =	simm.s32 $0x80  }
0x20: {  	[tilespmem:s16], [sflag:$0x2] =	stream.indirect.gather [hbm4b:s2+s14], $0x10, s23, s14, $0xb8;
	[tilespmem:$0xC200] =	vst v63  }
0x21: {  	_ =	swait.ge [sflag:s17], $0x800  }
0x22: {  	[sflag:s17] =	ssyncset.done $0x0  }
0x23: {  	s29 =	simm.s32 $0x2800;
	[sflag:s17] =	ssyncadd.s32 $0xFFFFF800  }
0x24: {  	[spmem:s3] =	stream.indirect.scatter.add.f32 [tilespmem:s15], [sflag:$0x3], $0x10, s29, s14, $0xb8;
	[tilespmem:$0xC200] =	vst v63  }
0x25: {  	_ =	swait.ge [sflag:s10], $0x800  }
0x26: {  	[sflag:s10] =	ssyncset.done $0x0  }
0x27: {  	s30 =	simm.s32 $0x100;
	[sflag:s10] =	ssyncadd.s32 $0xFFFFF800  }
0x28: {  	[tilespmem:s15], [sflag:$0x1] =	stream.indirect.gather [hbm4b:s2+s14], $0x10, s30, s14, $0xb8;
	[tilespmem:$0xC200] =	vst v63  }
0x29: {  	_ =	swait.ge [sflag:s18], $0x800  }
0x2a: {  	[sflag:s18] =	ssyncset.done $0x0  }
0x2b: {  	s31 =	simm.s32 $0x2880;
	[sflag:s18] =	ssyncadd.s32 $0xFFFFF800  }
0x2c: {  	[spmem:s3] =	stream.indirect.scatter.add.f32 [tilespmem:s16], [sflag:$0x3], $0x10, s31, s14, $0xb8;
	[tilespmem:$0xC200] =	vst v63  }
0x2d: {  	_ =	swait.ge [sflag:s10], $0x800  }
0x2e: {  	s24 =	simm.s32 $0x800;
	s23 =	simm.s32 $0x100;
	[sflag:s10] =	ssyncset.done $0x0  }
.LBB2_2:
0x2f: {  	s25 =	sadd.s32 $0x80, s23  }
0x30: {  	[sflag:s10] =	ssyncadd.s32 $0xFFFFF800;
	s26 =	smov.u32 s24;
	s28 =	sadd.s32 $0x400, s24  }
0x31: {  	[tilespmem:s16], [sflag:$0x2] =	stream.indirect.gather [hbm4b:s2+s14], $0x10, s25, s14, $0xb8;
	[tilespmem:$0xC200] =	vst v63  }
0x32: {  	p0 =	sne.s32 s24, $0x9800;
	_ =	swait.ge [sflag:s17], $0x800  }
0x33: {  	[sflag:s17] =	ssyncset.done $0x0  }
0x34: {  	s24 =	sadd.s32 $0x2800, s23;
	[sflag:s17] =	ssyncadd.s32 $0xFFFFF800  }
0x35: {  	[spmem:s3] =	stream.indirect.scatter.add.f32 [tilespmem:s15], [sflag:$0x3], $0x10, s24, s14, $0xb8;
	[tilespmem:$0xC200] =	vst v63  }
0x36: {  	_ =	swait.ge [sflag:s10], $0x800  }
0x37: {  	[sflag:s10] =	ssyncset.done $0x0  }
0x38: {  	s24 =	sadd.s32 $0x100, s23;
	[sflag:s10] =	ssyncadd.s32 $0xFFFFF800  }
0x39: {  	[tilespmem:s15], [sflag:$0x1] =	stream.indirect.gather [hbm4b:s2+s14], $0x10, s24, s14, $0xb8;
	[tilespmem:$0xC200] =	vst v63  }
0x3a: {  	_ =	swait.ge [sflag:s18], $0x800  }
.Ltmp0:
0x3b: {  	[sflag:s18] =	ssyncset.done $0x0;
	(pc) =	sbr.rel @p0 .LBB2_2-.Ltmp0, $4  }
0x3c: {  	s23 =	sadd.s32 $0x2880, s23;
	[sflag:s18] =	ssyncadd.s32 $0xFFFFF800  }
0x3d: {  	[spmem:s3] =	stream.indirect.scatter.add.f32 [tilespmem:s16], [sflag:$0x3], $0x10, s23, s14, $0xb8;
	[tilespmem:$0xC200] =	vst v63  }
0x3e: {  	_ =	swait.ge [sflag:s10], $0x800  }
0x3f: {  	s24 =	smov.u32 s28;
	s23 =	sshra.s32 s26, $0x2;
	[sflag:s10] =	ssyncset.done $0x0  }
0x40: {  	s24 =	sadd.s32 $0x80, s23;
	[sflag:s10] =	ssyncadd.s32 $0xFFFFF800  }
0x41: {  	[tilespmem:s16], [sflag:$0x2] =	stream.indirect.gather [hbm4b:s2+s14], $0x10, s24, s14, $0xb8;
	[tilespmem:$0xC200] =	vst v63  }
0x42: {  	_ =	swait.ge [sflag:s17], $0x800  }
0x43: {  	[sflag:s17] =	ssyncset.done $0x0  }
0x44: {  	s29 =	sadd.s32 $0x2800, s23;
	[sflag:s17] =	ssyncadd.s32 $0xFFFFF800  }
0x45: {  	[spmem:s3] =	stream.indirect.scatter.add.f32 [tilespmem:s15], [sflag:$0x3], $0x10, s29, s14, $0xb8;
	[tilespmem:$0xC200] =	vst v63  }
0x46: {  	_ =	swait.ge [sflag:s10], $0x800  }
0x47: {  	[sflag:s10] =	ssyncset.done $0x0  }
0x48: {  	s30 =	sadd.s32 $0x100, s23;
	[sflag:s10] =	ssyncadd.s32 $0xFFFFF800  }
0x49: {  	[tilespmem:s15], [sflag:$0x1] =	stream.indirect.gather [hbm4b:s2+s14], $0x10, s30, s14, $0xb8;
	[tilespmem:$0xC200] =	vst v63  }
0x4a: {  	_ =	swait.ge [sflag:s18], $0x800  }
0x4b: {  	[sflag:s18] =	ssyncset.done $0x0  }
0x4c: {  	s31 =	sadd.s32 $0x2880, s23;
	[sflag:s18] =	ssyncadd.s32 $0xFFFFF800  }
0x4d: {  	[spmem:s3] =	stream.indirect.scatter.add.f32 [tilespmem:s16], [sflag:$0x3], $0x10, s31, s14, $0xb8;
	[tilespmem:$0xC200] =	vst v63  }
0x4e: {  	_ =	swait.ge [sflag:s10], $0x800  }
0x4f: {  	[sflag:s10] =	ssyncset.done $0x0  }
0x50: {  	[sflag:s10] =	ssyncadd.s32 $0xFFFFF800  }
0x51: {  	[tilespmem:s16], [sflag:$0x2] =	stream.indirect.gather [hbm4b:s2+s14], $0x10, s19, s14, $0xb8;
	[tilespmem:$0xC200] =	vst v63  }
0x52: {  	_ =	swait.ge [sflag:s17], $0x800  }
0x53: {  	[sflag:s17] =	ssyncset.done $0x0  }
0x54: {  	[sflag:s17] =	ssyncadd.s32 $0xFFFFF800  }
0x55: {  	[spmem:s3] =	stream.indirect.scatter.add.f32 [tilespmem:s15], [sflag:$0x3], $0x10, s20, s14, $0xb8;
	[tilespmem:$0xC200] =	vst v63  }
0x56: {  	_ =	swait.ge [sflag:s10], $0x800  }
0x57: {  	[sflag:s10] =	ssyncset.done $0x0  }
0x58: {  	[sflag:s10] =	ssyncadd.s32 $0xFFFFF800  }
0x59: {  	_ =	swait.ge [sflag:s18], $0x800  }
0x5a: {  	[sflag:s18] =	ssyncset.done $0x0  }
0x5b: {  	[sflag:s18] =	ssyncadd.s32 $0xFFFFF800  }
0x5c: {  	[spmem:s3] =	stream.indirect.scatter.add.f32 [tilespmem:s16], [sflag:$0x3], $0x10, s21, s14, $0xb8;
	[tilespmem:$0xC200] =	vst v63  }
0x5d: {  	_ =	swait.ge [sflag:s10], $0x800  }
0x5e: {  	s22 =	sadd.s32 $0x1, s22;
	[sflag:s10] =	ssyncset.done $0x0  }
0x5f: {  	p0 =	sne.s32 s22, s9;
	[sflag:s10] =	ssyncadd.s32 $0xFFFFF800  }
.Ltmp1:
0x60: {  	[bflag:$0x0] =	sbarrier.arrive $0xFFFF;
	(pc) =	sbr.rel @p0 .LBB2_1-.Ltmp1, $4  }
0x61: {  	[hbm:s8], [sflag:s12] =	dma.local [spmem:s13], $0xC40  }
0x62: {  	_ =	swait.ge [sflag:s10], $0xC40  }
0x63: {  	[sflag:s10] =	ssyncset.done $0x0  }
0x64: {  	[sflag:s10] =	ssyncadd.s32 $0xFFFFF3C0  }
0x65: {  	_ =	sfence.sel $0x180000  }
0x66: {  	[bflag:$0x0] =	sbarrier.arrive $0xFFFF  }
0x67: {  	p0 =	sne.s32 s0, $0x0;
	_ =	strace $0x9000004A  }
0x68: {  	s0 =	sadd.s32 @!p0 $0x100000, s1;
	[bflag:$0x2] =	sbarrier.arrive $0xFFFF  }
0x69: {  	[sflag:s0] =	ssyncadd.tile.s32 @!p0 $0x1;
	_ =	shalt  }
.Lfunc_end2:
_tile_overlayer_lowered:
.L_overlay_start_2:
0x6a: {  	(tag) =	ssettag $0x2  }
0x6b: {  	s0 =	rddreg [dreg:$0x0];
	s2 =	stileid.u32  }
0x6c: {  	s1 =	rddreg [dreg:$0x1];
	p0 =	sne.s32 s2, $0x0  }
0x6d: {  	s3 =	rddreg [dreg:$0x2];
	[bflag:$0x3] =	sbarrier.arrive $0xFFFF;
	s2 =	simm.s32 @!p0 $0x1C03  }
0x6e: {  	[timem:s3], [sflag:s2] =	dma.local @!p0 [hbm:s0], s1  }
0x6f: {  	s0 =	simm.s32 @!p0 $0x3  }
0x70: {  	_ =	swait.ge @!p0 [sflag:s0], s1  }
0x71: {  	s1 =	ssub.s32 @!p0 $0x0, s1;
	[sflag:s0] =	ssyncset.done @!p0 $0x0  }
0x72: {  	[sflag:s0] =	ssyncadd.s32 @!p0 s1  }
0x73: {  	[bflag:$0x3] =	sbarrier.arrive $0xFFFF  }
0x74: {  	_ =	shalt  }

</sc_bundles>
